<compile_context>
chip_gen: v7x
topology: tpu7x:2x2x1
jax: 0.10.2.dev20260603
libtpu: 0.0.44.dev20260713+nightly
codegen_flags: <defaults>
</compile_context>

<pallas_src>
import functools

import jax
import jax.numpy as jnp
from jax import lax
from jax.experimental import pallas as pl
from jax.experimental.pallas import tpu as pltpu
from jax.experimental.pallas import tpu_sc as plsc

ATT_W = 1.0
REP_W = 1.0
BPOS_W = 10.0
BNEG_SIG_W = 3.0
BNEG_BG_W = 6.0
MARGIN_W = 10.0
THR = 0.5
MARGIN = 0.3
K = 64
_LANES = 16
_GCH = 128


def _make_sc_compact(B, N, D):
    mesh = plsc.VectorSubcoreMesh(core_axis_name="c", subcore_axis_name="s")
    nchunk = N // _LANES

    @functools.partial(
        pl.kernel, mesh=mesh,
        out_type=jax.ShapeDtypeStruct((B, N, D), jnp.float32),
        compiler_params=pltpu.CompilerParams(needs_layout_passes=False, use_tc_tiling_on_sc=False),
        scratch_types=[
            pltpu.VMEM((N,), jnp.int32),
            pltpu.VMEM((N,), jnp.int32),
            pltpu.VMEM((N, D), jnp.float32),
            pltpu.SemaphoreType.DMA,
        ],
    )
    def sc_kernel(cpv_hbm, emb_hbm, out_hbm, cpv_v, idx_v, rows_v, sem):
        wid = lax.axis_index("s") * 2 + lax.axis_index("c")

        @pl.when(wid < B)
        def _():
            base = wid * N
            pltpu.sync_copy(cpv_hbm.at[pl.ds(base, N)], cpv_v)
            basev = jnp.zeros((_LANES,), jnp.int32) + base
            for j in range(nchunk):
                idx_v[pl.ds(j * _LANES, _LANES)] = basev
            lane = lax.broadcasted_iota(jnp.int32, (_LANES,), 0)

            def body(j, off):
                c = cpv_v[pl.ds(j * _LANES, _LANES)]
                m = c > 0
                cs = jnp.cumsum(jnp.where(m, 1, 0))
                plsc.store_scatter(idx_v, [off + cs - 1], lane + (base + j * _LANES),
                                   mask=m)
                return off + jnp.max(cs)

            lax.fori_loop(0, nchunk, body, jnp.int32(0))

            descs = [
                pltpu.async_copy(emb_hbm.at[idx_v.at[pl.ds(j * _GCH, _GCH)]],
                                 rows_v.at[pl.ds(j * _GCH, _GCH)], sem)
                for j in range(N // _GCH)
            ]
            for d in descs:
                d.wait()
            pltpu.sync_copy(rows_v, out_hbm.at[wid])

    return sc_kernel


def _loss_kernel(beta_ref, sid_ref, cp_ref, emb_ref, cemb_ref, acc_ref):
    b = pl.program_id(0)

    @pl.when(b == 0)
    def _init():
        for i in range(6):
            acc_ref[i] = 0.0

    beta_b = beta_ref[0]
    sid = sid_ref[0]
    cp = cp_ref[0]
    emb = emb_ref[0]
    N = beta_b.shape[1]

    valid = (sid >= 0.0).astype(jnp.float32)
    cp_valid = cp * valid
    n_valid = jnp.sum(valid)
    n_cpv = jnp.sum(cp_valid)
    processed = jnp.where((n_valid > 0.0) & (n_cpv > 0.0), 1.0, 0.0)

    p = jax.nn.sigmoid(beta_b)
    log1pexp = jnp.log1p(jnp.exp(-jnp.abs(beta_b)))
    relu_b = jnp.maximum(beta_b, 0.0)
    ce1 = relu_b - beta_b + log1pexp
    bce0 = relu_b + log1pexp
    focal1 = 0.75 * (1.0 - p) * (1.0 - p) * ce1

    ids = jax.lax.broadcasted_iota(jnp.int32, (K, 1), 0).astype(jnp.float32)
    onehot = jnp.where(sid == ids, 1.0, 0.0)
    a_cp = onehot * cp
    cnt_cp = jnp.sum(a_cp, axis=1, keepdims=True)
    inst_size = jnp.sum(onehot, axis=1, keepdims=True)
    use = jnp.where(cnt_cp > 0.0, 1.0, 0.0)

    inst_focal = jnp.sum(a_cp * focal1, axis=1, keepdims=True)
    inst_mean = inst_focal / jnp.maximum(cnt_cp, 1.0)
    pos_accum = jnp.sum(use * inst_size * inst_mean)
    total_w = jnp.sum(use * inst_size)
    pos_bce_b = pos_accum / jnp.maximum(total_w, 1.0)

    non_cp = 1.0 - cp
    ncp_cnt = jnp.sum(non_cp)
    neg_bce_b = jnp.sum(bce0 * non_cp) / jnp.maximum(ncp_cnt, 1.0)

    cp_cnt = jnp.sum(cp)
    pos_margin_b = jnp.sum(jnp.maximum(THR + MARGIN - p, 0.0) * cp) / jnp.maximum(cp_cnt, 1.0)
    neg_margin_b = jnp.sum(jnp.maximum(p - (THR - MARGIN), 0.0) * non_cp) / jnp.maximum(ncp_cnt, 1.0)

    bg = jnp.where(sid == -1.0, 1.0, 0.0)
    bg_cnt = jnp.sum(bg)
    bg_bce = jnp.sum(bce0 * bg) / jnp.maximum(bg_cnt, 1.0)

    beta_loss = (BPOS_W * pos_bce_b + BNEG_SIG_W * neg_bce_b + BNEG_BG_W * bg_bce
                 + MARGIN_W * (pos_margin_b + neg_margin_b))

    embsq = emb * emb
    e2_col = jnp.sum(embsq, axis=1, keepdims=True)
    dn_t = (((1,), (1,)), ((), ()))
    s1 = jax.lax.dot_general(onehot, emb, (((1,), (0,)), ((), ())),
                             preferred_element_type=jnp.float32)
    s2 = jax.lax.dot_general(onehot, e2_col, (((1,), (0,)), ((), ())),
                             preferred_element_type=jnp.float32)
    nidx = jax.lax.broadcasted_iota(jnp.int32, (K, N), 1).astype(jnp.float32)
    first = jnp.min(jnp.where(a_cp > 0.0, nidx, float(N)), axis=1, keepdims=True)
    sel = jnp.where(nidx == first, 1.0, 0.0)
    c = jax.lax.dot_general(sel, emb, (((1,), (0,)), ((), ())),
                            preferred_element_type=jnp.float32)
    c2 = jnp.sum(c * c, axis=1, keepdims=True)
    cdots1 = jnp.sum(c * s1, axis=1, keepdims=True)
    att_sum = s2 - 2.0 * cdots1 + inst_size * c2
    att_mean = att_sum / jnp.maximum(inst_size, 1.0)
    attraction = ATT_W * jnp.sum(use * att_mean)

    cemb = cemb_ref[0]
    T = 256
    nt = N // T
    csq = cemb * cemb
    ce2_col = jnp.sum(csq, axis=1, keepdims=True)
    ones_d = jnp.ones((1, cemb.shape[1]), jnp.float32)
    ce2_row = jax.lax.dot_general(ones_d, csq, dn_t,
                                  preferred_element_type=jnp.float32)
    widx = jax.lax.broadcasted_iota(jnp.int32, (1, N), 1).astype(jnp.float32)
    w_all = jnp.where(widx < n_cpv, 1.0, 0.0)

    acc_ref[6] = 0.0
    for ti in range(nt):
        rows = cemb[ti * T:(ti + 1) * T, :]
        e2r = ce2_col[ti * T:(ti + 1) * T, :]
        wr = w_all[:, ti * T:(ti + 1) * T]
        for tj in range(ti, nt):
            fac = 1.0 if ti == tj else 2.0

            @pl.when(float(tj * T) < n_cpv)
            def _tile(rows=rows, e2r=e2r, wr=wr, tj=tj, fac=fac):
                cols = cemb[tj * T:(tj + 1) * T, :]
                e2c = ce2_row[:, tj * T:(tj + 1) * T]
                g = jax.lax.dot_general(rows, cols, dn_t,
                                        preferred_element_type=jnp.float32)
                d2 = jnp.maximum(e2r + e2c - 2.0 * g, 0.0)
                e = jnp.exp(-d2)
                wc = w_all[:, tj * T:(tj + 1) * T]
                r = jax.lax.dot_general(wr, e, (((1,), (0,)), ((), ())),
                                        preferred_element_type=jnp.float32)
                acc_ref[6] = acc_ref[6] + fac * jnp.sum(r * wc)

    rep_sum = acc_ref[6]
    rep_mean = rep_sum / jnp.where(n_cpv > 1.0, n_cpv * n_cpv, 1.0)
    repulsion = jnp.where(n_cpv > 1.0, REP_W * rep_mean, 0.0)

    batch_loss = beta_loss + attraction + repulsion

    acc_ref[0] = acc_ref[0] + processed * batch_loss
    acc_ref[1] = acc_ref[1] + processed
    acc_ref[2] = processed * pos_bce_b + (1.0 - processed) * acc_ref[2]
    acc_ref[3] = processed * neg_bce_b + (1.0 - processed) * acc_ref[3]
    acc_ref[4] = processed * pos_margin_b + (1.0 - processed) * acc_ref[4]
    acc_ref[5] = processed * neg_margin_b + (1.0 - processed) * acc_ref[5]


def kernel(beta, embed, slice_id, is_cp):
    B, N, D = embed.shape
    beta2 = beta[..., 0].astype(jnp.float32).reshape(B, 1, N)
    sidf = slice_id.astype(jnp.float32).reshape(B, 1, N)
    cpf = is_cp.astype(jnp.float32).reshape(B, 1, N)

    cpv_flat = (is_cp & (slice_id >= 0)).astype(jnp.int32).reshape(B * N)
    emb_flat = embed.astype(jnp.float32).reshape(B * N, D)
    compact = _make_sc_compact(B, N, D)(cpv_flat, emb_flat)

    acc = pl.pallas_call(
        _loss_kernel,
        grid=(B,),
        in_specs=[
            pl.BlockSpec((1, 1, N), lambda b: (b, 0, 0)),
            pl.BlockSpec((1, 1, N), lambda b: (b, 0, 0)),
            pl.BlockSpec((1, 1, N), lambda b: (b, 0, 0)),
            pl.BlockSpec((1, N, D), lambda b: (b, 0, 0)),
            pl.BlockSpec((1, N, D), lambda b: (b, 0, 0)),
        ],
        out_specs=pl.BlockSpec(memory_space=pltpu.MemorySpace.SMEM),
        out_shape=jax.ShapeDtypeStruct((8,), jnp.float32),
        compiler_params=pltpu.CompilerParams(
            dimension_semantics=("arbitrary",),
        ),
    )(beta2, sidf, cpf, embed, compact)

    total, cnt = acc[0], acc[1]
    final_loss = jnp.where(cnt > 0.0, total / jnp.where(cnt > 0.0, cnt, 1.0), 0.0)
    return (final_loss, acc[2], acc[3], acc[4], acc[5])

# --- scband reference (transcript-rebuilt; emitter-appended) ---
"""Pipeline reference for scband-object-condensation-loss-12678743458120 (READ-ONLY COPY).

The authoritative reference and input builder live on the scoring server;
editing this copy changes nothing except your own understanding.
"""

import jax, jax.numpy as jnp
import numpy as np

ATT_W = 1.0
REP_W = 1.0
BPOS_W = 10.0
BNEG_SIG_W = 3.0
BNEG_BG_W = 6.0
MARGIN_W = 10.0
THR = 0.5
MARGIN = 0.3


def _bce_logits(logits, targets):
    # numerically stable binary_cross_entropy_with_logits (elementwise)
    return jnp.maximum(logits, 0.0) - logits * targets + jnp.log1p(jnp.exp(-jnp.abs(logits)))


def _focal_bce(logits, targets, alpha=0.75, gamma=2.0):
    p = jax.nn.sigmoid(logits)
    ce = _bce_logits(logits, targets)
    pt = p * targets + (1 - p) * (1 - targets)
    return (alpha * (1 - pt) ** gamma * ce).mean()


def setup_inputs(seed: int = 0):
    key = jax.random.key(seed)
    k1, k2, k3, k4 = jax.random.split(key, 4)
    B, N, D, K = 8, 1024, 32, 64
    beta = jax.random.normal(k1, (B, N, 1), dtype=jnp.float32)
    embed = jax.random.normal(k2, (B, N, D), dtype=jnp.float32)
    slice_id = jax.random.randint(k3, (B, N), 0, K, dtype=jnp.int32)
    is_cp = jax.random.randint(k4, (B, N), 0, 2, dtype=jnp.int32) > 0
    return {"beta": beta, "embed": embed, "slice_id": slice_id, "is_cp": is_cp}


def _compute(beta, embed, sid_all, cp_all):
    beta_s = beta[..., 0]
    B, N, D = embed.shape
    K = 64
    ids = jnp.arange(K, dtype=sid_all.dtype)
    total_loss = jnp.asarray(0.0)
    count = jnp.asarray(0, dtype=jnp.int32)
    pos_bce = jnp.asarray(0.0)
    neg_bce = jnp.asarray(0.0)
    pos_margin_loss = jnp.asarray(0.0)
    neg_margin_loss = jnp.asarray(0.0)
    for b in range(B):
        sid = sid_all[b]
        cp_mask = cp_all[b]
        beta_b = beta_s[b]
        emb_b = embed[b]
        valid = sid >= 0
        cp_valid = cp_mask & valid
        processed = (valid.sum() > 0) & (cp_valid.sum() > 0)

        onehot = sid[None, :] == ids[:, None]
        present = jnp.any(onehot & valid[None, :], axis=1)
        cp_inst = onehot & cp_mask[None, :]
        cnt_cp = cp_inst.sum(axis=1)
        use = present & (cnt_cp > 0)
        inst_size = onehot.sum(axis=1).astype(jnp.float32)

        p = jax.nn.sigmoid(beta_b)
        ce1 = _bce_logits(beta_b, jnp.ones_like(beta_b))
        focal1 = 0.75 * (1 - p) ** 2.0 * ce1
        inst_mean = (cp_inst * focal1[None, :]).sum(axis=1) / jnp.where(cnt_cp > 0, cnt_cp, 1).astype(jnp.float32)
        pos_bce_accum = jnp.where(use, inst_size * inst_mean, 0.0).sum()
        total_w = jnp.where(use, inst_size, 0.0).sum()
        pos_bce_b = pos_bce_accum / jnp.where(total_w > 0, total_w, 1.0)

        non_cp = ~cp_mask
        ncp_cnt = non_cp.sum()
        ncp_safe = jnp.where(ncp_cnt > 0, ncp_cnt, 1)
        bce0 = _bce_logits(beta_b, jnp.zeros_like(beta_b))
        neg_bce_b = jnp.where(ncp_cnt > 0, (bce0 * non_cp).sum() / ncp_safe, 0.0)

        beta_prob = jax.nn.sigmoid(beta_b)
        cp_cnt = cp_mask.sum()
        cp_safe = jnp.where(cp_cnt > 0, cp_cnt, 1)
        pos_margin_b = (jax.nn.relu(THR + MARGIN - beta_prob) * cp_mask).sum() / cp_safe
        neg_margin_b = jnp.where(ncp_cnt > 0, (jax.nn.relu(beta_prob - (THR - MARGIN)) * non_cp).sum() / ncp_safe, 0.0)

        bg_mask = sid == -1
        bg_cnt = bg_mask.sum()
        bg_safe = jnp.where(bg_cnt > 0, bg_cnt, 1)
        bg_bce = jnp.where(bg_cnt > 0, (bce0 * bg_mask).sum() / bg_safe, 0.0)

        beta_loss = BPOS_W * pos_bce_b + BNEG_SIG_W * neg_bce_b + BNEG_BG_W * bg_bce + MARGIN_W * (pos_margin_b + neg_margin_b)

        first_cp = jnp.argmax(cp_inst, axis=1)
        inst_cp = emb_b[first_cp]
        d2a = ((emb_b[None, :, :] - inst_cp[:, None, :]) ** 2).sum(axis=2)
        att_mean = (d2a * onehot).sum(axis=1) / jnp.where(inst_size > 0, inst_size, 1.0)
        attraction_loss = ATT_W * jnp.where(use, att_mean, 0.0).sum()

        M = cp_valid.sum()
        diff = emb_b[:, None, :] - emb_b[None, :, :]
        d2r = (diff ** 2).sum(axis=2)
        pair = cp_valid[:, None] & cp_valid[None, :]
        Mf = M.astype(jnp.float32)
        rep_mean = (jnp.exp(-d2r) * pair).sum() / jnp.where(M > 1, Mf * Mf, 1.0)
        repulsion_loss = jnp.where(M > 1, REP_W * rep_mean, 0.0)

        batch_loss = beta_loss + attraction_loss + repulsion_loss
        total_loss = total_loss + jnp.where(processed, batch_loss, 0.0)
        count = count + processed.astype(jnp.int32)
        pos_bce = jnp.where(processed, pos_bce_b, pos_bce)
        neg_bce = jnp.where(processed, neg_bce_b, neg_bce)
        pos_margin_loss = jnp.where(processed, pos_margin_b, pos_margin_loss)
        neg_margin_loss = jnp.where(processed, neg_margin_b, neg_margin_loss)
    final_loss = jnp.where(count > 0, total_loss / jnp.where(count > 0, count, 1), 0.0)
    return final_loss, (pos_bce, neg_bce, pos_margin_loss, neg_margin_loss)


def reference(beta, embed, slice_id, is_cp):
    sid_all = slice_id
    cp_all = is_cp.astype(bool)
    final_loss, extras = _compute(beta, embed, sid_all, cp_all)
    extras = tuple(jax.lax.stop_gradient(e) for e in extras)
    return (final_loss,) + extras

if __name__ == "__main__":
    import jax
    _d = setup_inputs()
    print(jax.jit(kernel)(*tuple(_d.values())))

</pallas_src>

<mosaic_0001>
#map = affine_map<(d0, d1) -> (0)>
#map1 = affine_map<(d0, d1) -> (0, 0)>
#map2 = affine_map<(d0, d1) -> (0, 0, 0)>
module attributes {stable_mosaic.version = 14 : i64} {
  func.func @sc_kernel(%arg0: i32, %arg1: i32, %arg2: memref<8192xi32, #tpu.memory_space<hbm>>, %arg3: memref<8192x32xf32, #tpu.memory_space<hbm>>, %arg4: memref<8x1024x32xf32, #tpu.memory_space<hbm>>, %arg5: memref<1024xi32, #tpu.memory_space<vmem>>, %arg6: memref<1024xi32, #tpu.memory_space<vmem>>, %arg7: memref<1024x32xf32, #tpu.memory_space<vmem>>, %arg8: memref<!tpu.dma_semaphore, #tpu.memory_space<semaphore_mem>>) attributes {dimension_semantics = [#tpu.dimension_semantics<core_parallel>, #tpu.dimension_semantics<subcore_parallel>], iteration_bounds = array<i64: 2, 16>, scalar_prefetch = 0 : i64, scratch_operands = 4 : i64, tpu.core_type = #tpu.core_type<sc_vector_subcore>, window_params = [{transform_indices = #map}, {transform_indices = #map1}, {transform_indices = #map2}]} {
    %mul3A = arith.constant 2 : i32
    %mul3A_0 = arith.muli %arg1, %mul3A : i32
    %add3A = arith.addi %mul3A_0, %arg0 : i32
    %lt3A = arith.constant 8 : i32
    %lt3A_1 = arith.cmpi slt, %add3A, %lt3A : i32
    %convert_element_type3A = arith.extui %lt3A_1 : i1 to i32
    %cond3A = arith.constant 0 : i32
    %cond3A_2 = arith.cmpi ne, %convert_element_type3A, %cond3A : i32
    scf.if %cond3A_2 {
      %mul3A_3 = arith.constant 1024 : i32
      %mul3A_4 = arith.muli %add3A, %mul3A_3 : i32
      "tpu.region"() ({
        %run_scoped3A = tpu.sem_alloc : memref<!tpu.dma_semaphore, #tpu.memory_space<semaphore_mem>>
        %dma_start3A_267 = tpu.memref_slice %arg2[%mul3A_4] : memref<8192xi32, #tpu.memory_space<hbm>> -> memref<1024xi32, #tpu.memory_space<hbm>>
        %dma_start3A_268 = tpu.memref_slice %arg2[%mul3A_4] : memref<8192xi32, #tpu.memory_space<hbm>> -> memref<1024xi32, #tpu.memory_space<hbm>>
        tpu.enqueue_dma source(%dma_start3A_268 : memref<1024xi32, #tpu.memory_space<hbm>>) target(%arg5 : memref<1024xi32, #tpu.memory_space<vmem>>) target_semaphore(%run_scoped3A : memref<!tpu.dma_semaphore, #tpu.memory_space<semaphore_mem>>)
        %dma_wait3A_269 = tpu.memref_slice %arg2[%mul3A_4] : memref<8192xi32, #tpu.memory_space<hbm>> -> memref<1024xi32, #tpu.memory_space<hbm>>
        %dma_wait3A_270 = tpu.memref_slice %arg2[%mul3A_4] : memref<8192xi32, #tpu.memory_space<hbm>> -> memref<1024xi32, #tpu.memory_space<hbm>>
        tpu.wait_dma2 semaphore(%run_scoped3A : memref<!tpu.dma_semaphore, #tpu.memory_space<semaphore_mem>>) src(%dma_wait3A_270 : memref<1024xi32, #tpu.memory_space<hbm>>) dst(%arg5 : memref<1024xi32, #tpu.memory_space<vmem>>)
        tpu.yield
      }) : () -> ()
      %broadcast_in_dim3A = arith.constant 0 : i32
      %broadcast_in_dim3A_5 = vector.broadcast %broadcast_in_dim3A : i32 to vector<16xi32>
      %add3A_6 = vector.broadcast %mul3A_4 : i32 to vector<16xi32>
      %add3A_7 = arith.addi %broadcast_in_dim3A_5, %add3A_6 : vector<16xi32>
      %swap3A = arith.constant 0 : index
      %swap3A_8 = tpu.vector_load %arg6[%swap3A] {strides = array<i32>} : memref<1024xi32, #tpu.memory_space<vmem>>, vector<16xi32>,
      tpu.vector_store %arg6[%swap3A], %add3A_7 {strides = array<i32>} : memref<1024xi32, #tpu.memory_space<vmem>>, vector<16xi32>,
      %swap3A_9 = arith.constant 16 : index
      %swap3A_10 = tpu.vector_load %arg6[%swap3A_9] {strides = array<i32>} : memref<1024xi32, #tpu.memory_space<vmem>>, vector<16xi32>,
      tpu.vector_store %arg6[%swap3A_9], %add3A_7 {strides = array<i32>} : memref<1024xi32, #tpu.memory_space<vmem>>, vector<16xi32>,
      %swap3A_11 = arith.constant 32 : index
      %swap3A_12 = tpu.vector_load %arg6[%swap3A_11] {strides = array<i32>} : memref<1024xi32, #tpu.memory_space<vmem>>, vector<16xi32>,
      tpu.vector_store %arg6[%swap3A_11], %add3A_7 {strides = array<i32>} : memref<1024xi32, #tpu.memory_space<vmem>>, vector<16xi32>,
      %swap3A_13 = arith.constant 48 : index
      %swap3A_14 = tpu.vector_load %arg6[%swap3A_13] {strides = array<i32>} : memref<1024xi32, #tpu.memory_space<vmem>>, vector<16xi32>,
      tpu.vector_store %arg6[%swap3A_13], %add3A_7 {strides = array<i32>} : memref<1024xi32, #tpu.memory_space<vmem>>, vector<16xi32>,
      %swap3A_15 = arith.constant 64 : index
      %swap3A_16 = tpu.vector_load %arg6[%swap3A_15] {strides = array<i32>} : memref<1024xi32, #tpu.memory_space<vmem>>, vector<16xi32>,
      tpu.vector_store %arg6[%swap3A_15], %add3A_7 {strides = array<i32>} : memref<1024xi32, #tpu.memory_space<vmem>>, vector<16xi32>,
      %swap3A_17 = arith.constant 80 : index
      %swap3A_18 = tpu.vector_load %arg6[%swap3A_17] {strides = array<i32>} : memref<1024xi32, #tpu.memory_space<vmem>>, vector<16xi32>,
      tpu.vector_store %arg6[%swap3A_17], %add3A_7 {strides = array<i32>} : memref<1024xi32, #tpu.memory_space<vmem>>, vector<16xi32>,
      %swap3A_19 = arith.constant 96 : index
      %swap3A_20 = tpu.vector_load %arg6[%swap3A_19] {strides = array<i32>} : memref<1024xi32, #tpu.memory_space<vmem>>, vector<16xi32>,
      tpu.vector_store %arg6[%swap3A_19], %add3A_7 {strides = array<i32>} : memref<1024xi32, #tpu.memory_space<vmem>>, vector<16xi32>,
      %swap3A_21 = arith.constant 112 : index
      %swap3A_22 = tpu.vector_load %arg6[%swap3A_21] {strides = array<i32>} : memref<1024xi32, #tpu.memory_space<vmem>>, vector<16xi32>,
      tpu.vector_store %arg6[%swap3A_21], %add3A_7 {strides = array<i32>} : memref<1024xi32, #tpu.memory_space<vmem>>, vector<16xi32>,
      %swap3A_23 = arith.constant 128 : index
      %swap3A_24 = tpu.vector_load %arg6[%swap3A_23] {strides = array<i32>} : memref<1024xi32, #tpu.memory_space<vmem>>, vector<16xi32>,
      tpu.vector_store %arg6[%swap3A_23], %add3A_7 {strides = array<i32>} : memref<1024xi32, #tpu.memory_space<vmem>>, vector<16xi32>,
      %swap3A_25 = arith.constant 144 : index
      %swap3A_26 = tpu.vector_load %arg6[%swap3A_25] {strides = array<i32>} : memref<1024xi32, #tpu.memory_space<vmem>>, vector<16xi32>,
      tpu.vector_store %arg6[%swap3A_25], %add3A_7 {strides = array<i32>} : memref<1024xi32, #tpu.memory_space<vmem>>, vector<16xi32>,
      %swap3A_27 = arith.constant 160 : index
      %swap3A_28 = tpu.vector_load %arg6[%swap3A_27] {strides = array<i32>} : memref<1024xi32, #tpu.memory_space<vmem>>, vector<16xi32>,
      tpu.vector_store %arg6[%swap3A_27], %add3A_7 {strides = array<i32>} : memref<1024xi32, #tpu.memory_space<vmem>>, vector<16xi32>,
      %swap3A_29 = arith.constant 176 : index
      %swap3A_30 = tpu.vector_load %arg6[%swap3A_29] {strides = array<i32>} : memref<1024xi32, #tpu.memory_space<vmem>>, vector<16xi32>,
      tpu.vector_store %arg6[%swap3A_29], %add3A_7 {strides = array<i32>} : memref<1024xi32, #tpu.memory_space<vmem>>, vector<16xi32>,
      %swap3A_31 = arith.constant 192 : index
      %swap3A_32 = tpu.vector_load %arg6[%swap3A_31] {strides = array<i32>} : memref<1024xi32, #tpu.memory_space<vmem>>, vector<16xi32>,
      tpu.vector_store %arg6[%swap3A_31], %add3A_7 {strides = array<i32>} : memref<1024xi32, #tpu.memory_space<vmem>>, vector<16xi32>,
      %swap3A_33 = arith.constant 208 : index
      %swap3A_34 = tpu.vector_load %arg6[%swap3A_33] {strides = array<i32>} : memref<1024xi32, #tpu.memory_space<vmem>>, vector<16xi32>,
      tpu.vector_store %arg6[%swap3A_33], %add3A_7 {strides = array<i32>} : memref<1024xi32, #tpu.memory_space<vmem>>, vector<16xi32>,
      %swap3A_35 = arith.constant 224 : index
      %swap3A_36 = tpu.vector_load %arg6[%swap3A_35] {strides = array<i32>} : memref<1024xi32, #tpu.memory_space<vmem>>, vector<16xi32>,
      tpu.vector_store %arg6[%swap3A_35], %add3A_7 {strides = array<i32>} : memref<1024xi32, #tpu.memory_space<vmem>>, vector<16xi32>,
      %swap3A_37 = arith.constant 240 : index
      %swap3A_38 = tpu.vector_load %arg6[%swap3A_37] {strides = array<i32>} : memref<1024xi32, #tpu.memory_space<vmem>>, vector<16xi32>,
      tpu.vector_store %arg6[%swap3A_37], %add3A_7 {strides = array<i32>} : memref<1024xi32, #tpu.memory_space<vmem>>, vector<16xi32>,
      %swap3A_39 = arith.constant 256 : index
      %swap3A_40 = tpu.vector_load %arg6[%swap3A_39] {strides = array<i32>} : memref<1024xi32, #tpu.memory_space<vmem>>, vector<16xi32>,
      tpu.vector_store %arg6[%swap3A_39], %add3A_7 {strides = array<i32>} : memref<1024xi32, #tpu.memory_space<vmem>>, vector<16xi32>,
      %swap3A_41 = arith.constant 272 : index
      %swap3A_42 = tpu.vector_load %arg6[%swap3A_41] {strides = array<i32>} : memref<1024xi32, #tpu.memory_space<vmem>>, vector<16xi32>,
      tpu.vector_store %arg6[%swap3A_41], %add3A_7 {strides = array<i32>} : memref<1024xi32, #tpu.memory_space<vmem>>, vector<16xi32>,
      %swap3A_43 = arith.constant 288 : index
      %swap3A_44 = tpu.vector_load %arg6[%swap3A_43] {strides = array<i32>} : memref<1024xi32, #tpu.memory_space<vmem>>, vector<16xi32>,
      tpu.vector_store %arg6[%swap3A_43], %add3A_7 {strides = array<i32>} : memref<1024xi32, #tpu.memory_space<vmem>>, vector<16xi32>,
      %swap3A_45 = arith.constant 304 : index
      %swap3A_46 = tpu.vector_load %arg6[%swap3A_45] {strides = array<i32>} : memref<1024xi32, #tpu.memory_space<vmem>>, vector<16xi32>,
      tpu.vector_store %arg6[%swap3A_45], %add3A_7 {strides = array<i32>} : memref<1024xi32, #tpu.memory_space<vmem>>, vector<16xi32>,
      %swap3A_47 = arith.constant 320 : index
      %swap3A_48 = tpu.vector_load %arg6[%swap3A_47] {strides = array<i32>} : memref<1024xi32, #tpu.memory_space<vmem>>, vector<16xi32>,
      tpu.vector_store %arg6[%swap3A_47], %add3A_7 {strides = array<i32>} : memref<1024xi32, #tpu.memory_space<vmem>>, vector<16xi32>,
      %swap3A_49 = arith.constant 336 : index
      %swap3A_50 = tpu.vector_load %arg6[%swap3A_49] {strides = array<i32>} : memref<1024xi32, #tpu.memory_space<vmem>>, vector<16xi32>,
      tpu.vector_store %arg6[%swap3A_49], %add3A_7 {strides = array<i32>} : memref<1024xi32, #tpu.memory_space<vmem>>, vector<16xi32>,
      %swap3A_51 = arith.constant 352 : index
      %swap3A_52 = tpu.vector_load %arg6[%swap3A_51] {strides = array<i32>} : memref<1024xi32, #tpu.memory_space<vmem>>, vector<16xi32>,
      tpu.vector_store %arg6[%swap3A_51], %add3A_7 {strides = array<i32>} : memref<1024xi32, #tpu.memory_space<vmem>>, vector<16xi32>,
      %swap3A_53 = arith.constant 368 : index
      %swap3A_54 = tpu.vector_load %arg6[%swap3A_53] {strides = array<i32>} : memref<1024xi32, #tpu.memory_space<vmem>>, vector<16xi32>,
      tpu.vector_store %arg6[%swap3A_53], %add3A_7 {strides = array<i32>} : memref<1024xi32, #tpu.memory_space<vmem>>, vector<16xi32>,
      %swap3A_55 = arith.constant 384 : index
      %swap3A_56 = tpu.vector_load %arg6[%swap3A_55] {strides = array<i32>} : memref<1024xi32, #tpu.memory_space<vmem>>, vector<16xi32>,
      tpu.vector_store %arg6[%swap3A_55], %add3A_7 {strides = array<i32>} : memref<1024xi32, #tpu.memory_space<vmem>>, vector<16xi32>,
      %swap3A_57 = arith.constant 400 : index
      %swap3A_58 = tpu.vector_load %arg6[%swap3A_57] {strides = array<i32>} : memref<1024xi32, #tpu.memory_space<vmem>>, vector<16xi32>,
      tpu.vector_store %arg6[%swap3A_57], %add3A_7 {strides = array<i32>} : memref<1024xi32, #tpu.memory_space<vmem>>, vector<16xi32>,
      %swap3A_59 = arith.constant 416 : index
      %swap3A_60 = tpu.vector_load %arg6[%swap3A_59] {strides = array<i32>} : memref<1024xi32, #tpu.memory_space<vmem>>, vector<16xi32>,
      tpu.vector_store %arg6[%swap3A_59], %add3A_7 {strides = array<i32>} : memref<1024xi32, #tpu.memory_space<vmem>>, vector<16xi32>,
      %swap3A_61 = arith.constant 432 : index
      %swap3A_62 = tpu.vector_load %arg6[%swap3A_61] {strides = array<i32>} : memref<1024xi32, #tpu.memory_space<vmem>>, vector<16xi32>,
      tpu.vector_store %arg6[%swap3A_61], %add3A_7 {strides = array<i32>} : memref<1024xi32, #tpu.memory_space<vmem>>, vector<16xi32>,
      %swap3A_63 = arith.constant 448 : index
      %swap3A_64 = tpu.vector_load %arg6[%swap3A_63] {strides = array<i32>} : memref<1024xi32, #tpu.memory_space<vmem>>, vector<16xi32>,
      tpu.vector_store %arg6[%swap3A_63], %add3A_7 {strides = array<i32>} : memref<1024xi32, #tpu.memory_space<vmem>>, vector<16xi32>,
      %swap3A_65 = arith.constant 464 : index
      %swap3A_66 = tpu.vector_load %arg6[%swap3A_65] {strides = array<i32>} : memref<1024xi32, #tpu.memory_space<vmem>>, vector<16xi32>,
      tpu.vector_store %arg6[%swap3A_65], %add3A_7 {strides = array<i32>} : memref<1024xi32, #tpu.memory_space<vmem>>, vector<16xi32>,
      %swap3A_67 = arith.constant 480 : index
      %swap3A_68 = tpu.vector_load %arg6[%swap3A_67] {strides = array<i32>} : memref<1024xi32, #tpu.memory_space<vmem>>, vector<16xi32>,
      tpu.vector_store %arg6[%swap3A_67], %add3A_7 {strides = array<i32>} : memref<1024xi32, #tpu.memory_space<vmem>>, vector<16xi32>,
      %swap3A_69 = arith.constant 496 : index
      %swap3A_70 = tpu.vector_load %arg6[%swap3A_69] {strides = array<i32>} : memref<1024xi32, #tpu.memory_space<vmem>>, vector<16xi32>,
      tpu.vector_store %arg6[%swap3A_69], %add3A_7 {strides = array<i32>} : memref<1024xi32, #tpu.memory_space<vmem>>, vector<16xi32>,
      %swap3A_71 = arith.constant 512 : index
      %swap3A_72 = tpu.vector_load %arg6[%swap3A_71] {strides = array<i32>} : memref<1024xi32, #tpu.memory_space<vmem>>, vector<16xi32>,
      tpu.vector_store %arg6[%swap3A_71], %add3A_7 {strides = array<i32>} : memref<1024xi32, #tpu.memory_space<vmem>>, vector<16xi32>,
      %swap3A_73 = arith.constant 528 : index
      %swap3A_74 = tpu.vector_load %arg6[%swap3A_73] {strides = array<i32>} : memref<1024xi32, #tpu.memory_space<vmem>>, vector<16xi32>,
      tpu.vector_store %arg6[%swap3A_73], %add3A_7 {strides = array<i32>} : memref<1024xi32, #tpu.memory_space<vmem>>, vector<16xi32>,
      %swap3A_75 = arith.constant 544 : index
      %swap3A_76 = tpu.vector_load %arg6[%swap3A_75] {strides = array<i32>} : memref<1024xi32, #tpu.memory_space<vmem>>, vector<16xi32>,
      tpu.vector_store %arg6[%swap3A_75], %add3A_7 {strides = array<i32>} : memref<1024xi32, #tpu.memory_space<vmem>>, vector<16xi32>,
      %swap3A_77 = arith.constant 560 : index
      %swap3A_78 = tpu.vector_load %arg6[%swap3A_77] {strides = array<i32>} : memref<1024xi32, #tpu.memory_space<vmem>>, vector<16xi32>,
      tpu.vector_store %arg6[%swap3A_77], %add3A_7 {strides = array<i32>} : memref<1024xi32, #tpu.memory_space<vmem>>, vector<16xi32>,
      %swap3A_79 = arith.constant 576 : index
      %swap3A_80 = tpu.vector_load %arg6[%swap3A_79] {strides = array<i32>} : memref<1024xi32, #tpu.memory_space<vmem>>, vector<16xi32>,
      tpu.vector_store %arg6[%swap3A_79], %add3A_7 {strides = array<i32>} : memref<1024xi32, #tpu.memory_space<vmem>>, vector<16xi32>,
      %swap3A_81 = arith.constant 592 : index
      %swap3A_82 = tpu.vector_load %arg6[%swap3A_81] {strides = array<i32>} : memref<1024xi32, #tpu.memory_space<vmem>>, vector<16xi32>,
      tpu.vector_store %arg6[%swap3A_81], %add3A_7 {strides = array<i32>} : memref<1024xi32, #tpu.memory_space<vmem>>, vector<16xi32>,
      %swap3A_83 = arith.constant 608 : index
      %swap3A_84 = tpu.vector_load %arg6[%swap3A_83] {strides = array<i32>} : memref<1024xi32, #tpu.memory_space<vmem>>, vector<16xi32>,
      tpu.vector_store %arg6[%swap3A_83], %add3A_7 {strides = array<i32>} : memref<1024xi32, #tpu.memory_space<vmem>>, vector<16xi32>,
      %swap3A_85 = arith.constant 624 : index
      %swap3A_86 = tpu.vector_load %arg6[%swap3A_85] {strides = array<i32>} : memref<1024xi32, #tpu.memory_space<vmem>>, vector<16xi32>,
      tpu.vector_store %arg6[%swap3A_85], %add3A_7 {strides = array<i32>} : memref<1024xi32, #tpu.memory_space<vmem>>, vector<16xi32>,
      %swap3A_87 = arith.constant 640 : index
      %swap3A_88 = tpu.vector_load %arg6[%swap3A_87] {strides = array<i32>} : memref<1024xi32, #tpu.memory_space<vmem>>, vector<16xi32>,
      tpu.vector_store %arg6[%swap3A_87], %add3A_7 {strides = array<i32>} : memref<1024xi32, #tpu.memory_space<vmem>>, vector<16xi32>,
      %swap3A_89 = arith.constant 656 : index
      %swap3A_90 = tpu.vector_load %arg6[%swap3A_89] {strides = array<i32>} : memref<1024xi32, #tpu.memory_space<vmem>>, vector<16xi32>,
      tpu.vector_store %arg6[%swap3A_89], %add3A_7 {strides = array<i32>} : memref<1024xi32, #tpu.memory_space<vmem>>, vector<16xi32>,
      %swap3A_91 = arith.constant 672 : index
      %swap3A_92 = tpu.vector_load %arg6[%swap3A_91] {strides = array<i32>} : memref<1024xi32, #tpu.memory_space<vmem>>, vector<16xi32>,
      tpu.vector_store %arg6[%swap3A_91], %add3A_7 {strides = array<i32>} : memref<1024xi32, #tpu.memory_space<vmem>>, vector<16xi32>,
      %swap3A_93 = arith.constant 688 : index
      %swap3A_94 = tpu.vector_load %arg6[%swap3A_93] {strides = array<i32>} : memref<1024xi32, #tpu.memory_space<vmem>>, vector<16xi32>,
      tpu.vector_store %arg6[%swap3A_93], %add3A_7 {strides = array<i32>} : memref<1024xi32, #tpu.memory_space<vmem>>, vector<16xi32>,
      %swap3A_95 = arith.constant 704 : index
      %swap3A_96 = tpu.vector_load %arg6[%swap3A_95] {strides = array<i32>} : memref<1024xi32, #tpu.memory_space<vmem>>, vector<16xi32>,
      tpu.vector_store %arg6[%swap3A_95], %add3A_7 {strides = array<i32>} : memref<1024xi32, #tpu.memory_space<vmem>>, vector<16xi32>,
      %swap3A_97 = arith.constant 720 : index
      %swap3A_98 = tpu.vector_load %arg6[%swap3A_97] {strides = array<i32>} : memref<1024xi32, #tpu.memory_space<vmem>>, vector<16xi32>,
      tpu.vector_store %arg6[%swap3A_97], %add3A_7 {strides = array<i32>} : memref<1024xi32, #tpu.memory_space<vmem>>, vector<16xi32>,
      %swap3A_99 = arith.constant 736 : index
      %swap3A_100 = tpu.vector_load %arg6[%swap3A_99] {strides = array<i32>} : memref<1024xi32, #tpu.memory_space<vmem>>, vector<16xi32>,
      tpu.vector_store %arg6[%swap3A_99], %add3A_7 {strides = array<i32>} : memref<1024xi32, #tpu.memory_space<vmem>>, vector<16xi32>,
      %swap3A_101 = arith.constant 752 : index
      %swap3A_102 = tpu.vector_load %arg6[%swap3A_101] {strides = array<i32>} : memref<1024xi32, #tpu.memory_space<vmem>>, vector<16xi32>,
      tpu.vector_store %arg6[%swap3A_101], %add3A_7 {strides = array<i32>} : memref<1024xi32, #tpu.memory_space<vmem>>, vector<16xi32>,
      %swap3A_103 = arith.constant 768 : index
      %swap3A_104 = tpu.vector_load %arg6[%swap3A_103] {strides = array<i32>} : memref<1024xi32, #tpu.memory_space<vmem>>, vector<16xi32>,
      tpu.vector_store %arg6[%swap3A_103], %add3A_7 {strides = array<i32>} : memref<1024xi32, #tpu.memory_space<vmem>>, vector<16xi32>,
      %swap3A_105 = arith.constant 784 : index
      %swap3A_106 = tpu.vector_load %arg6[%swap3A_105] {strides = array<i32>} : memref<1024xi32, #tpu.memory_space<vmem>>, vector<16xi32>,
      tpu.vector_store %arg6[%swap3A_105], %add3A_7 {strides = array<i32>} : memref<1024xi32, #tpu.memory_space<vmem>>, vector<16xi32>,
      %swap3A_107 = arith.constant 800 : index
      %swap3A_108 = tpu.vector_load %arg6[%swap3A_107] {strides = array<i32>} : memref<1024xi32, #tpu.memory_space<vmem>>, vector<16xi32>,
      tpu.vector_store %arg6[%swap3A_107], %add3A_7 {strides = array<i32>} : memref<1024xi32, #tpu.memory_space<vmem>>, vector<16xi32>,
      %swap3A_109 = arith.constant 816 : index
      %swap3A_110 = tpu.vector_load %arg6[%swap3A_109] {strides = array<i32>} : memref<1024xi32, #tpu.memory_space<vmem>>, vector<16xi32>,
      tpu.vector_store %arg6[%swap3A_109], %add3A_7 {strides = array<i32>} : memref<1024xi32, #tpu.memory_space<vmem>>, vector<16xi32>,
      %swap3A_111 = arith.constant 832 : index
      %swap3A_112 = tpu.vector_load %arg6[%swap3A_111] {strides = array<i32>} : memref<1024xi32, #tpu.memory_space<vmem>>, vector<16xi32>,
      tpu.vector_store %arg6[%swap3A_111], %add3A_7 {strides = array<i32>} : memref<1024xi32, #tpu.memory_space<vmem>>, vector<16xi32>,
      %swap3A_113 = arith.constant 848 : index
      %swap3A_114 = tpu.vector_load %arg6[%swap3A_113] {strides = array<i32>} : memref<1024xi32, #tpu.memory_space<vmem>>, vector<16xi32>,
      tpu.vector_store %arg6[%swap3A_113], %add3A_7 {strides = array<i32>} : memref<1024xi32, #tpu.memory_space<vmem>>, vector<16xi32>,
      %swap3A_115 = arith.constant 864 : index
      %swap3A_116 = tpu.vector_load %arg6[%swap3A_115] {strides = array<i32>} : memref<1024xi32, #tpu.memory_space<vmem>>, vector<16xi32>,
      tpu.vector_store %arg6[%swap3A_115], %add3A_7 {strides = array<i32>} : memref<1024xi32, #tpu.memory_space<vmem>>, vector<16xi32>,
      %swap3A_117 = arith.constant 880 : index
      %swap3A_118 = tpu.vector_load %arg6[%swap3A_117] {strides = array<i32>} : memref<1024xi32, #tpu.memory_space<vmem>>, vector<16xi32>,
      tpu.vector_store %arg6[%swap3A_117], %add3A_7 {strides = array<i32>} : memref<1024xi32, #tpu.memory_space<vmem>>, vector<16xi32>,
      %swap3A_119 = arith.constant 896 : index
      %swap3A_120 = tpu.vector_load %arg6[%swap3A_119] {strides = array<i32>} : memref<1024xi32, #tpu.memory_space<vmem>>, vector<16xi32>,
      tpu.vector_store %arg6[%swap3A_119], %add3A_7 {strides = array<i32>} : memref<1024xi32, #tpu.memory_space<vmem>>, vector<16xi32>,
      %swap3A_121 = arith.constant 912 : index
      %swap3A_122 = tpu.vector_load %arg6[%swap3A_121] {strides = array<i32>} : memref<1024xi32, #tpu.memory_space<vmem>>, vector<16xi32>,
      tpu.vector_store %arg6[%swap3A_121], %add3A_7 {strides = array<i32>} : memref<1024xi32, #tpu.memory_space<vmem>>, vector<16xi32>,
      %swap3A_123 = arith.constant 928 : index
      %swap3A_124 = tpu.vector_load %arg6[%swap3A_123] {strides = array<i32>} : memref<1024xi32, #tpu.memory_space<vmem>>, vector<16xi32>,
      tpu.vector_store %arg6[%swap3A_123], %add3A_7 {strides = array<i32>} : memref<1024xi32, #tpu.memory_space<vmem>>, vector<16xi32>,
      %swap3A_125 = arith.constant 944 : index
      %swap3A_126 = tpu.vector_load %arg6[%swap3A_125] {strides = array<i32>} : memref<1024xi32, #tpu.memory_space<vmem>>, vector<16xi32>,
      tpu.vector_store %arg6[%swap3A_125], %add3A_7 {strides = array<i32>} : memref<1024xi32, #tpu.memory_space<vmem>>, vector<16xi32>,
      %swap3A_127 = arith.constant 960 : index
      %swap3A_128 = tpu.vector_load %arg6[%swap3A_127] {strides = array<i32>} : memref<1024xi32, #tpu.memory_space<vmem>>, vector<16xi32>,
      tpu.vector_store %arg6[%swap3A_127], %add3A_7 {strides = array<i32>} : memref<1024xi32, #tpu.memory_space<vmem>>, vector<16xi32>,
      %swap3A_129 = arith.constant 976 : index
      %swap3A_130 = tpu.vector_load %arg6[%swap3A_129] {strides = array<i32>} : memref<1024xi32, #tpu.memory_space<vmem>>, vector<16xi32>,
      tpu.vector_store %arg6[%swap3A_129], %add3A_7 {strides = array<i32>} : memref<1024xi32, #tpu.memory_space<vmem>>, vector<16xi32>,
      %swap3A_131 = arith.constant 992 : index
      %swap3A_132 = tpu.vector_load %arg6[%swap3A_131] {strides = array<i32>} : memref<1024xi32, #tpu.memory_space<vmem>>, vector<16xi32>,
      tpu.vector_store %arg6[%swap3A_131], %add3A_7 {strides = array<i32>} : memref<1024xi32, #tpu.memory_space<vmem>>, vector<16xi32>,
      %swap3A_133 = arith.constant 1008 : index
      %swap3A_134 = tpu.vector_load %arg6[%swap3A_133] {strides = array<i32>} : memref<1024xi32, #tpu.memory_space<vmem>>, vector<16xi32>,
      tpu.vector_store %arg6[%swap3A_133], %add3A_7 {strides = array<i32>} : memref<1024xi32, #tpu.memory_space<vmem>>, vector<16xi32>,
      %iota3A = tpu.iota {dimensions = array<i32: 0>} : vector<16xi32>
      %scan3A = arith.constant 0 : i32
      %scan3A_135 = arith.constant 0 : i32
      %scan3A_136 = arith.constant 64 : i32
      %scan3A_137 = arith.addi %scan3A_135, %scan3A_136 : i32
      %scan3A_138 = arith.constant 1 : i32
      %scan3A_139 = scf.for %scan3A_267 = %scan3A_135 to %scan3A_137 step %scan3A_138 iter_args(%scan3A_268 = %scan3A) -> (i32)  : i32 {
        %mul3A_269 = arith.constant 16 : i32
        %mul3A_270 = arith.muli %scan3A_267, %mul3A_269 : i32
        %get3A = arith.index_cast %mul3A_270 : i32 to index
        %get3A_271 = tpu.vector_load %arg5[%get3A] {strides = array<i32>} : memref<1024xi32, #tpu.memory_space<vmem>>, vector<16xi32>,
        %gt3A = arith.constant 0 : i32
        %gt3A_272 = vector.broadcast %gt3A : i32 to vector<16xi32>
        %gt3A_273 = arith.cmpi sgt, %get3A_271, %gt3A_272 : vector<16xi32>
        %jit3A = arith.constant 1 : i32
        %jit3A_274 = arith.constant 0 : i32
        %broadcast_in_dim3A_275 = vector.broadcast %jit3A : i32 to vector<16xi32>
        %broadcast_in_dim3A_276 = vector.broadcast %jit3A_274 : i32 to vector<16xi32>
        %select_n3A = arith.select %gt3A_273, %broadcast_in_dim3A_275, %broadcast_in_dim3A_276 : vector<16xi1>, vector<16xi32>
        %cumsum3A = arith.constant true
        %cumsum3A_277 = vector.broadcast %cumsum3A : i1 to vector<16xi1>
        %cumsum3A_278 = tpu.scan <sum>, %select_n3A masked %cumsum3A_277 : vector<16xi32>, vector<16xi1> -> vector<16xi32>
        %add3A_279 = vector.broadcast %scan3A_268 : i32 to vector<16xi32>
        %add3A_280 = arith.addi %add3A_279, %cumsum3A_278 : vector<16xi32>
        %sub3A = arith.constant 1 : i32
        %sub3A_281 = vector.broadcast %sub3A : i32 to vector<16xi32>
        %sub3A_282 = arith.subi %add3A_280, %sub3A_281 : vector<16xi32>
        %mul3A_283 = arith.constant 16 : i32
        %mul3A_284 = arith.muli %scan3A_267, %mul3A_283 : i32
        %add3A_285 = arith.addi %mul3A_4, %mul3A_284 : i32
        %add3A_286 = vector.broadcast %add3A_285 : i32 to vector<16xi32>
        %add3A_287 = arith.addi %iota3A, %add3A_286 : vector<16xi32>
        tpu.vector_store_idx %arg6[%sub3A_282], %add3A_287 masked %gt3A_273 : memref<1024xi32, #tpu.memory_space<vmem>>[vector<16xi32>], vector<16xi32>, vector<16xi1>
        %reduce_max3A = arith.constant true
        %reduce_max3A_288 = vector.broadcast %reduce_max3A : i1 to vector<16xi1>
        %reduce_max3A_289 = arith.constant -2147483648 : i32
        %reduce_max3A_290 = vector.broadcast %reduce_max3A_289 : i32 to vector<16xi32>
        %reduce_max3A_291 = arith.xori %cumsum3A_278, %reduce_max3A_290 : vector<16xi32>
        %reduce_max3A_292 = tpu.scan <max>, %reduce_max3A_291 masked %reduce_max3A_288 : vector<16xi32>, vector<16xi1> -> vector<16xi32>
        %reduce_max3A_293 = arith.xori %reduce_max3A_292, %reduce_max3A_290 : vector<16xi32>
        %reduce_max3A_294 = vector.extract %reduce_max3A_293[15] : i32 from vector<16xi32>
        %add3A_295 = arith.addi %scan3A_268, %reduce_max3A_294 : i32
        scf.yield %add3A_295 : i32
      }
      %scan3A_140 = arith.constant 64 : i32
      %dma_start3A = arith.constant 0 : i32
      %dma_start3A_141 = arith.constant 0 : i32
      %dma_start3A_142 = tpu.memref_slice %arg7[%dma_start3A, %dma_start3A_141] : memref<1024x32xf32, #tpu.memory_space<vmem>> -> memref<128x32xf32, #tpu.memory_space<vmem>>
      %dma_start3A_143 = arith.constant 0 : i32
      %dma_start3A_144 = tpu.memref_slice %arg6[%dma_start3A_143] : memref<1024xi32, #tpu.memory_space<vmem>> -> memref<128xi32, #tpu.memory_space<vmem>>
      %dma_start3A_145 = arith.constant 0 : i32
      %dma_start3A_146 = arith.constant 0 : i32
      %dma_start3A_147 = tpu.memref_slice %arg3[%dma_start3A_145, %dma_start3A_146] : memref<8192x32xf32, #tpu.memory_space<hbm>> -> memref<8192x32xf32, #tpu.memory_space<hbm>>
      tpu.enqueue_indirect_dma source(%dma_start3A_147 : memref<8192x32xf32, #tpu.memory_space<hbm>>) target(%dma_start3A_142 : memref<128x32xf32, #tpu.memory_space<vmem>>) offsets(%dma_start3A_144 : memref<128xi32, #tpu.memory_space<vmem>>) semaphore(%arg8 : memref<!tpu.dma_semaphore, #tpu.memory_space<semaphore_mem>>)
      %dma_start3A_148 = arith.constant 128 : i32
      %dma_start3A_149 = arith.constant 0 : i32
      %dma_start3A_150 = tpu.memref_slice %arg7[%dma_start3A_148, %dma_start3A_149] : memref<1024x32xf32, #tpu.memory_space<vmem>> -> memref<128x32xf32, #tpu.memory_space<vmem>>
      %dma_start3A_151 = arith.constant 128 : i32
      %dma_start3A_152 = tpu.memref_slice %arg6[%dma_start3A_151] : memref<1024xi32, #tpu.memory_space<vmem>> -> memref<128xi32, #tpu.memory_space<vmem>>
      %dma_start3A_153 = arith.constant 0 : i32
      %dma_start3A_154 = arith.constant 0 : i32
      %dma_start3A_155 = tpu.memref_slice %arg3[%dma_start3A_153, %dma_start3A_154] : memref<8192x32xf32, #tpu.memory_space<hbm>> -> memref<8192x32xf32, #tpu.memory_space<hbm>>
      tpu.enqueue_indirect_dma source(%dma_start3A_155 : memref<8192x32xf32, #tpu.memory_space<hbm>>) target(%dma_start3A_150 : memref<128x32xf32, #tpu.memory_space<vmem>>) offsets(%dma_start3A_152 : memref<128xi32, #tpu.memory_space<vmem>>) semaphore(%arg8 : memref<!tpu.dma_semaphore, #tpu.memory_space<semaphore_mem>>)
      %dma_start3A_156 = arith.constant 256 : i32
      %dma_start3A_157 = arith.constant 0 : i32
      %dma_start3A_158 = tpu.memref_slice %arg7[%dma_start3A_156, %dma_start3A_157] : memref<1024x32xf32, #tpu.memory_space<vmem>> -> memref<128x32xf32, #tpu.memory_space<vmem>>
      %dma_start3A_159 = arith.constant 256 : i32
      %dma_start3A_160 = tpu.memref_slice %arg6[%dma_start3A_159] : memref<1024xi32, #tpu.memory_space<vmem>> -> memref<128xi32, #tpu.memory_space<vmem>>
      %dma_start3A_161 = arith.constant 0 : i32
      %dma_start3A_162 = arith.constant 0 : i32
      %dma_start3A_163 = tpu.memref_slice %arg3[%dma_start3A_161, %dma_start3A_162] : memref<8192x32xf32, #tpu.memory_space<hbm>> -> memref<8192x32xf32, #tpu.memory_space<hbm>>
      tpu.enqueue_indirect_dma source(%dma_start3A_163 : memref<8192x32xf32, #tpu.memory_space<hbm>>) target(%dma_start3A_158 : memref<128x32xf32, #tpu.memory_space<vmem>>) offsets(%dma_start3A_160 : memref<128xi32, #tpu.memory_space<vmem>>) semaphore(%arg8 : memref<!tpu.dma_semaphore, #tpu.memory_space<semaphore_mem>>)
      %dma_start3A_164 = arith.constant 384 : i32
      %dma_start3A_165 = arith.constant 0 : i32
      %dma_start3A_166 = tpu.memref_slice %arg7[%dma_start3A_164, %dma_start3A_165] : memref<1024x32xf32, #tpu.memory_space<vmem>> -> memref<128x32xf32, #tpu.memory_space<vmem>>
      %dma_start3A_167 = arith.constant 384 : i32
      %dma_start3A_168 = tpu.memref_slice %arg6[%dma_start3A_167] : memref<1024xi32, #tpu.memory_space<vmem>> -> memref<128xi32, #tpu.memory_space<vmem>>
      %dma_start3A_169 = arith.constant 0 : i32
      %dma_start3A_170 = arith.constant 0 : i32
      %dma_start3A_171 = tpu.memref_slice %arg3[%dma_start3A_169, %dma_start3A_170] : memref<8192x32xf32, #tpu.memory_space<hbm>> -> memref<8192x32xf32, #tpu.memory_space<hbm>>
      tpu.enqueue_indirect_dma source(%dma_start3A_171 : memref<8192x32xf32, #tpu.memory_space<hbm>>) target(%dma_start3A_166 : memref<128x32xf32, #tpu.memory_space<vmem>>) offsets(%dma_start3A_168 : memref<128xi32, #tpu.memory_space<vmem>>) semaphore(%arg8 : memref<!tpu.dma_semaphore, #tpu.memory_space<semaphore_mem>>)
      %dma_start3A_172 = arith.constant 512 : i32
      %dma_start3A_173 = arith.constant 0 : i32
      %dma_start3A_174 = tpu.memref_slice %arg7[%dma_start3A_172, %dma_start3A_173] : memref<1024x32xf32, #tpu.memory_space<vmem>> -> memref<128x32xf32, #tpu.memory_space<vmem>>
      %dma_start3A_175 = arith.constant 512 : i32
      %dma_start3A_176 = tpu.memref_slice %arg6[%dma_start3A_175] : memref<1024xi32, #tpu.memory_space<vmem>> -> memref<128xi32, #tpu.memory_space<vmem>>
      %dma_start3A_177 = arith.constant 0 : i32
      %dma_start3A_178 = arith.constant 0 : i32
      %dma_start3A_179 = tpu.memref_slice %arg3[%dma_start3A_177, %dma_start3A_178] : memref<8192x32xf32, #tpu.memory_space<hbm>> -> memref<8192x32xf32, #tpu.memory_space<hbm>>
      tpu.enqueue_indirect_dma source(%dma_start3A_179 : memref<8192x32xf32, #tpu.memory_space<hbm>>) target(%dma_start3A_174 : memref<128x32xf32, #tpu.memory_space<vmem>>) offsets(%dma_start3A_176 : memref<128xi32, #tpu.memory_space<vmem>>) semaphore(%arg8 : memref<!tpu.dma_semaphore, #tpu.memory_space<semaphore_mem>>)
      %dma_start3A_180 = arith.constant 640 : i32
      %dma_start3A_181 = arith.constant 0 : i32
      %dma_start3A_182 = tpu.memref_slice %arg7[%dma_start3A_180, %dma_start3A_181] : memref<1024x32xf32, #tpu.memory_space<vmem>> -> memref<128x32xf32, #tpu.memory_space<vmem>>
      %dma_start3A_183 = arith.constant 640 : i32
      %dma_start3A_184 = tpu.memref_slice %arg6[%dma_start3A_183] : memref<1024xi32, #tpu.memory_space<vmem>> -> memref<128xi32, #tpu.memory_space<vmem>>
      %dma_start3A_185 = arith.constant 0 : i32
      %dma_start3A_186 = arith.constant 0 : i32
      %dma_start3A_187 = tpu.memref_slice %arg3[%dma_start3A_185, %dma_start3A_186] : memref<8192x32xf32, #tpu.memory_space<hbm>> -> memref<8192x32xf32, #tpu.memory_space<hbm>>
      tpu.enqueue_indirect_dma source(%dma_start3A_187 : memref<8192x32xf32, #tpu.memory_space<hbm>>) target(%dma_start3A_182 : memref<128x32xf32, #tpu.memory_space<vmem>>) offsets(%dma_start3A_184 : memref<128xi32, #tpu.memory_space<vmem>>) semaphore(%arg8 : memref<!tpu.dma_semaphore, #tpu.memory_space<semaphore_mem>>)
      %dma_start3A_188 = arith.constant 768 : i32
      %dma_start3A_189 = arith.constant 0 : i32
      %dma_start3A_190 = tpu.memref_slice %arg7[%dma_start3A_188, %dma_start3A_189] : memref<1024x32xf32, #tpu.memory_space<vmem>> -> memref<128x32xf32, #tpu.memory_space<vmem>>
      %dma_start3A_191 = arith.constant 768 : i32
      %dma_start3A_192 = tpu.memref_slice %arg6[%dma_start3A_191] : memref<1024xi32, #tpu.memory_space<vmem>> -> memref<128xi32, #tpu.memory_space<vmem>>
      %dma_start3A_193 = arith.constant 0 : i32
      %dma_start3A_194 = arith.constant 0 : i32
      %dma_start3A_195 = tpu.memref_slice %arg3[%dma_start3A_193, %dma_start3A_194] : memref<8192x32xf32, #tpu.memory_space<hbm>> -> memref<8192x32xf32, #tpu.memory_space<hbm>>
      tpu.enqueue_indirect_dma source(%dma_start3A_195 : memref<8192x32xf32, #tpu.memory_space<hbm>>) target(%dma_start3A_190 : memref<128x32xf32, #tpu.memory_space<vmem>>) offsets(%dma_start3A_192 : memref<128xi32, #tpu.memory_space<vmem>>) semaphore(%arg8 : memref<!tpu.dma_semaphore, #tpu.memory_space<semaphore_mem>>)
      %dma_start3A_196 = arith.constant 896 : i32
      %dma_start3A_197 = arith.constant 0 : i32
      %dma_start3A_198 = tpu.memref_slice %arg7[%dma_start3A_196, %dma_start3A_197] : memref<1024x32xf32, #tpu.memory_space<vmem>> -> memref<128x32xf32, #tpu.memory_space<vmem>>
      %dma_start3A_199 = arith.constant 896 : i32
      %dma_start3A_200 = tpu.memref_slice %arg6[%dma_start3A_199] : memref<1024xi32, #tpu.memory_space<vmem>> -> memref<128xi32, #tpu.memory_space<vmem>>
      %dma_start3A_201 = arith.constant 0 : i32
      %dma_start3A_202 = arith.constant 0 : i32
      %dma_start3A_203 = tpu.memref_slice %arg3[%dma_start3A_201, %dma_start3A_202] : memref<8192x32xf32, #tpu.memory_space<hbm>> -> memref<8192x32xf32, #tpu.memory_space<hbm>>
      tpu.enqueue_indirect_dma source(%dma_start3A_203 : memref<8192x32xf32, #tpu.memory_space<hbm>>) target(%dma_start3A_198 : memref<128x32xf32, #tpu.memory_space<vmem>>) offsets(%dma_start3A_200 : memref<128xi32, #tpu.memory_space<vmem>>) semaphore(%arg8 : memref<!tpu.dma_semaphore, #tpu.memory_space<semaphore_mem>>)
      %dma_wait3A = arith.constant 0 : i32
      %dma_wait3A_204 = arith.constant 0 : i32
      %dma_wait3A_205 = tpu.memref_slice %arg7[%dma_wait3A, %dma_wait3A_204] : memref<1024x32xf32, #tpu.memory_space<vmem>> -> memref<128x32xf32, #tpu.memory_space<vmem>>
      %dma_wait3A_206 = arith.constant 0 : i32
      %dma_wait3A_207 = tpu.memref_slice %arg6[%dma_wait3A_206] : memref<1024xi32, #tpu.memory_space<vmem>> -> memref<128xi32, #tpu.memory_space<vmem>>
      %dma_wait3A_208 = arith.constant 0 : i32
      %dma_wait3A_209 = arith.constant 0 : i32
      %dma_wait3A_210 = tpu.memref_slice %arg3[%dma_wait3A_208, %dma_wait3A_209] : memref<8192x32xf32, #tpu.memory_space<hbm>> -> memref<8192x32xf32, #tpu.memory_space<hbm>>
      tpu.wait_indirect_dma semaphore(%arg8 : memref<!tpu.dma_semaphore, #tpu.memory_space<semaphore_mem>>) src(%dma_wait3A_210 : memref<8192x32xf32, #tpu.memory_space<hbm>>) dst(%dma_wait3A_205 : memref<128x32xf32, #tpu.memory_space<vmem>>)
      %dma_wait3A_211 = arith.constant 128 : i32
      %dma_wait3A_212 = arith.constant 0 : i32
      %dma_wait3A_213 = tpu.memref_slice %arg7[%dma_wait3A_211, %dma_wait3A_212] : memref<1024x32xf32, #tpu.memory_space<vmem>> -> memref<128x32xf32, #tpu.memory_space<vmem>>
      %dma_wait3A_214 = arith.constant 128 : i32
      %dma_wait3A_215 = tpu.memref_slice %arg6[%dma_wait3A_214] : memref<1024xi32, #tpu.memory_space<vmem>> -> memref<128xi32, #tpu.memory_space<vmem>>
      %dma_wait3A_216 = arith.constant 0 : i32
      %dma_wait3A_217 = arith.constant 0 : i32
      %dma_wait3A_218 = tpu.memref_slice %arg3[%dma_wait3A_216, %dma_wait3A_217] : memref<8192x32xf32, #tpu.memory_space<hbm>> -> memref<8192x32xf32, #tpu.memory_space<hbm>>
      tpu.wait_indirect_dma semaphore(%arg8 : memref<!tpu.dma_semaphore, #tpu.memory_space<semaphore_mem>>) src(%dma_wait3A_218 : memref<8192x32xf32, #tpu.memory_space<hbm>>) dst(%dma_wait3A_213 : memref<128x32xf32, #tpu.memory_space<vmem>>)
      %dma_wait3A_219 = arith.constant 256 : i32
      %dma_wait3A_220 = arith.constant 0 : i32
      %dma_wait3A_221 = tpu.memref_slice %arg7[%dma_wait3A_219, %dma_wait3A_220] : memref<1024x32xf32, #tpu.memory_space<vmem>> -> memref<128x32xf32, #tpu.memory_space<vmem>>
      %dma_wait3A_222 = arith.constant 256 : i32
      %dma_wait3A_223 = tpu.memref_slice %arg6[%dma_wait3A_222] : memref<1024xi32, #tpu.memory_space<vmem>> -> memref<128xi32, #tpu.memory_space<vmem>>
      %dma_wait3A_224 = arith.constant 0 : i32
      %dma_wait3A_225 = arith.constant 0 : i32
      %dma_wait3A_226 = tpu.memref_slice %arg3[%dma_wait3A_224, %dma_wait3A_225] : memref<8192x32xf32, #tpu.memory_space<hbm>> -> memref<8192x32xf32, #tpu.memory_space<hbm>>
      tpu.wait_indirect_dma semaphore(%arg8 : memref<!tpu.dma_semaphore, #tpu.memory_space<semaphore_mem>>) src(%dma_wait3A_226 : memref<8192x32xf32, #tpu.memory_space<hbm>>) dst(%dma_wait3A_221 : memref<128x32xf32, #tpu.memory_space<vmem>>)
      %dma_wait3A_227 = arith.constant 384 : i32
      %dma_wait3A_228 = arith.constant 0 : i32
      %dma_wait3A_229 = tpu.memref_slice %arg7[%dma_wait3A_227, %dma_wait3A_228] : memref<1024x32xf32, #tpu.memory_space<vmem>> -> memref<128x32xf32, #tpu.memory_space<vmem>>
      %dma_wait3A_230 = arith.constant 384 : i32
      %dma_wait3A_231 = tpu.memref_slice %arg6[%dma_wait3A_230] : memref<1024xi32, #tpu.memory_space<vmem>> -> memref<128xi32, #tpu.memory_space<vmem>>
      %dma_wait3A_232 = arith.constant 0 : i32
      %dma_wait3A_233 = arith.constant 0 : i32
      %dma_wait3A_234 = tpu.memref_slice %arg3[%dma_wait3A_232, %dma_wait3A_233] : memref<8192x32xf32, #tpu.memory_space<hbm>> -> memref<8192x32xf32, #tpu.memory_space<hbm>>
      tpu.wait_indirect_dma semaphore(%arg8 : memref<!tpu.dma_semaphore, #tpu.memory_space<semaphore_mem>>) src(%dma_wait3A_234 : memref<8192x32xf32, #tpu.memory_space<hbm>>) dst(%dma_wait3A_229 : memref<128x32xf32, #tpu.memory_space<vmem>>)
      %dma_wait3A_235 = arith.constant 512 : i32
      %dma_wait3A_236 = arith.constant 0 : i32
      %dma_wait3A_237 = tpu.memref_slice %arg7[%dma_wait3A_235, %dma_wait3A_236] : memref<1024x32xf32, #tpu.memory_space<vmem>> -> memref<128x32xf32, #tpu.memory_space<vmem>>
      %dma_wait3A_238 = arith.constant 512 : i32
      %dma_wait3A_239 = tpu.memref_slice %arg6[%dma_wait3A_238] : memref<1024xi32, #tpu.memory_space<vmem>> -> memref<128xi32, #tpu.memory_space<vmem>>
      %dma_wait3A_240 = arith.constant 0 : i32
      %dma_wait3A_241 = arith.constant 0 : i32
      %dma_wait3A_242 = tpu.memref_slice %arg3[%dma_wait3A_240, %dma_wait3A_241] : memref<8192x32xf32, #tpu.memory_space<hbm>> -> memref<8192x32xf32, #tpu.memory_space<hbm>>
      tpu.wait_indirect_dma semaphore(%arg8 : memref<!tpu.dma_semaphore, #tpu.memory_space<semaphore_mem>>) src(%dma_wait3A_242 : memref<8192x32xf32, #tpu.memory_space<hbm>>) dst(%dma_wait3A_237 : memref<128x32xf32, #tpu.memory_space<vmem>>)
      %dma_wait3A_243 = arith.constant 640 : i32
      %dma_wait3A_244 = arith.constant 0 : i32
      %dma_wait3A_245 = tpu.memref_slice %arg7[%dma_wait3A_243, %dma_wait3A_244] : memref<1024x32xf32, #tpu.memory_space<vmem>> -> memref<128x32xf32, #tpu.memory_space<vmem>>
      %dma_wait3A_246 = arith.constant 640 : i32
      %dma_wait3A_247 = tpu.memref_slice %arg6[%dma_wait3A_246] : memref<1024xi32, #tpu.memory_space<vmem>> -> memref<128xi32, #tpu.memory_space<vmem>>
      %dma_wait3A_248 = arith.constant 0 : i32
      %dma_wait3A_249 = arith.constant 0 : i32
      %dma_wait3A_250 = tpu.memref_slice %arg3[%dma_wait3A_248, %dma_wait3A_249] : memref<8192x32xf32, #tpu.memory_space<hbm>> -> memref<8192x32xf32, #tpu.memory_space<hbm>>
      tpu.wait_indirect_dma semaphore(%arg8 : memref<!tpu.dma_semaphore, #tpu.memory_space<semaphore_mem>>) src(%dma_wait3A_250 : memref<8192x32xf32, #tpu.memory_space<hbm>>) dst(%dma_wait3A_245 : memref<128x32xf32, #tpu.memory_space<vmem>>)
      %dma_wait3A_251 = arith.constant 768 : i32
      %dma_wait3A_252 = arith.constant 0 : i32
      %dma_wait3A_253 = tpu.memref_slice %arg7[%dma_wait3A_251, %dma_wait3A_252] : memref<1024x32xf32, #tpu.memory_space<vmem>> -> memref<128x32xf32, #tpu.memory_space<vmem>>
      %dma_wait3A_254 = arith.constant 768 : i32
      %dma_wait3A_255 = tpu.memref_slice %arg6[%dma_wait3A_254] : memref<1024xi32, #tpu.memory_space<vmem>> -> memref<128xi32, #tpu.memory_space<vmem>>
      %dma_wait3A_256 = arith.constant 0 : i32
      %dma_wait3A_257 = arith.constant 0 : i32
      %dma_wait3A_258 = tpu.memref_slice %arg3[%dma_wait3A_256, %dma_wait3A_257] : memref<8192x32xf32, #tpu.memory_space<hbm>> -> memref<8192x32xf32, #tpu.memory_space<hbm>>
      tpu.wait_indirect_dma semaphore(%arg8 : memref<!tpu.dma_semaphore, #tpu.memory_space<semaphore_mem>>) src(%dma_wait3A_258 : memref<8192x32xf32, #tpu.memory_space<hbm>>) dst(%dma_wait3A_253 : memref<128x32xf32, #tpu.memory_space<vmem>>)
      %dma_wait3A_259 = arith.constant 896 : i32
      %dma_wait3A_260 = arith.constant 0 : i32
      %dma_wait3A_261 = tpu.memref_slice %arg7[%dma_wait3A_259, %dma_wait3A_260] : memref<1024x32xf32, #tpu.memory_space<vmem>> -> memref<128x32xf32, #tpu.memory_space<vmem>>
      %dma_wait3A_262 = arith.constant 896 : i32
      %dma_wait3A_263 = tpu.memref_slice %arg6[%dma_wait3A_262] : memref<1024xi32, #tpu.memory_space<vmem>> -> memref<128xi32, #tpu.memory_space<vmem>>
      %dma_wait3A_264 = arith.constant 0 : i32
      %dma_wait3A_265 = arith.constant 0 : i32
      %dma_wait3A_266 = tpu.memref_slice %arg3[%dma_wait3A_264, %dma_wait3A_265] : memref<8192x32xf32, #tpu.memory_space<hbm>> -> memref<8192x32xf32, #tpu.memory_space<hbm>>
      tpu.wait_indirect_dma semaphore(%arg8 : memref<!tpu.dma_semaphore, #tpu.memory_space<semaphore_mem>>) src(%dma_wait3A_266 : memref<8192x32xf32, #tpu.memory_space<hbm>>) dst(%dma_wait3A_261 : memref<128x32xf32, #tpu.memory_space<vmem>>)
      "tpu.region"() ({
        %run_scoped3A = tpu.sem_alloc : memref<!tpu.dma_semaphore, #tpu.memory_space<semaphore_mem>>
        %dma_start3A_267 = arith.constant 0 : i32
        %dma_start3A_268 = arith.constant 0 : i32
        %dma_start3A_269 = tpu.memref_slice %arg4[%add3A, %dma_start3A_267, %dma_start3A_268] : memref<8x1024x32xf32, #tpu.memory_space<hbm>> -> memref<1x1024x32xf32, #tpu.memory_space<hbm>>
        %dma_start3A_270 = tpu.memref_squeeze %dma_start3A_269 : memref<1x1024x32xf32, #tpu.memory_space<hbm>> -> memref<1024x32xf32, #tpu.memory_space<hbm>>
        %dma_start3A_271 = arith.constant 0 : i32
        %dma_start3A_272 = arith.constant 0 : i32
        %dma_start3A_273 = tpu.memref_slice %arg4[%add3A, %dma_start3A_271, %dma_start3A_272] : memref<8x1024x32xf32, #tpu.memory_space<hbm>> -> memref<1x1024x32xf32, #tpu.memory_space<hbm>>
        %dma_start3A_274 = tpu.memref_squeeze %dma_start3A_273 : memref<1x1024x32xf32, #tpu.memory_space<hbm>> -> memref<1024x32xf32, #tpu.memory_space<hbm>>
        tpu.enqueue_dma source(%arg7 : memref<1024x32xf32, #tpu.memory_space<vmem>>) target(%dma_start3A_274 : memref<1024x32xf32, #tpu.memory_space<hbm>>) target_semaphore(%run_scoped3A : memref<!tpu.dma_semaphore, #tpu.memory_space<semaphore_mem>>)
        %dma_wait3A_275 = arith.constant 0 : i32
        %dma_wait3A_276 = arith.constant 0 : i32
        %dma_wait3A_277 = tpu.memref_slice %arg4[%add3A, %dma_wait3A_275, %dma_wait3A_276] : memref<8x1024x32xf32, #tpu.memory_space<hbm>> -> memref<1x1024x32xf32, #tpu.memory_space<hbm>>
        %dma_wait3A_278 = tpu.memref_squeeze %dma_wait3A_277 : memref<1x1024x32xf32, #tpu.memory_space<hbm>> -> memref<1024x32xf32, #tpu.memory_space<hbm>>
        %dma_wait3A_279 = arith.constant 0 : i32
        %dma_wait3A_280 = arith.constant 0 : i32
        %dma_wait3A_281 = tpu.memref_slice %arg4[%add3A, %dma_wait3A_279, %dma_wait3A_280] : memref<8x1024x32xf32, #tpu.memory_space<hbm>> -> memref<1x1024x32xf32, #tpu.memory_space<hbm>>
        %dma_wait3A_282 = tpu.memref_squeeze %dma_wait3A_281 : memref<1x1024x32xf32, #tpu.memory_space<hbm>> -> memref<1024x32xf32, #tpu.memory_space<hbm>>
        tpu.wait_dma2 semaphore(%run_scoped3A : memref<!tpu.dma_semaphore, #tpu.memory_space<semaphore_mem>>) src(%arg7 : memref<1024x32xf32, #tpu.memory_space<vmem>>) dst(%dma_wait3A_282 : memref<1024x32xf32, #tpu.memory_space<hbm>>)
        tpu.yield
      }) : () -> ()
    } else {
    }
    return
  }
}

module attributes {stable_mosaic.version = 14 : i64} {
  func.func @_loss_kernel(%arg0: i32, %arg1: memref<1x1x1024xf32, #tpu.memory_space<vmem>>, %arg2: memref<1x1x1024xf32, #tpu.memory_space<vmem>>, %arg3: memref<1x1x1024xf32, #tpu.memory_space<vmem>>, %arg4: memref<1x1024x32xf32, #tpu.memory_space<vmem>>, %arg5: memref<1x1024x32xf32, #tpu.memory_space<vmem>>, %arg6: memref<8xf32, #tpu.memory_space<smem>>) attributes {dimension_semantics = [#tpu.dimension_semantics<arbitrary>], iteration_bounds = array<i64: 8>, scalar_prefetch = 0 : i64, scratch_operands = 0 : i64, tpu.core_type = #tpu.core_type<tc>, window_params = [{transform_indices = @transform_0, window_bounds = array<i64: 1, 1, 1024>}, {transform_indices = @transform_1, window_bounds = array<i64: 1, 1, 1024>}, {transform_indices = @transform_2, window_bounds = array<i64: 1, 1, 1024>}, {transform_indices = @transform_3, window_bounds = array<i64: 1, 1024, 32>}, {transform_indices = @transform_4, window_bounds = array<i64: 1, 1024, 32>}, {transform_indices = @transform_5, window_bounds = array<i64: 8>}]} {
    %eq3A = arith.constant 0 : i32
    %eq3A_0 = arith.cmpi eq, %arg0, %eq3A : i32
    %convert_element_type3A = arith.extui %eq3A_0 : i1 to i32
    %cond3A = arith.constant 0 : i32
    %cond3A_1 = arith.cmpi ne, %convert_element_type3A, %cond3A : i32
    scf.if %cond3A_1 {
      %swap3A_392 = arith.constant 0.000000e+00 : f32
      %swap3A_393 = arith.constant 0 : index
      %swap3A_394 = memref.load %arg6[%swap3A_393] : memref<8xf32, #tpu.memory_space<smem>>
      memref.store %swap3A_392, %arg6[%swap3A_393] : memref<8xf32, #tpu.memory_space<smem>>
      %swap3A_395 = arith.constant 0.000000e+00 : f32
      %swap3A_396 = arith.constant 1 : index
      %swap3A_397 = memref.load %arg6[%swap3A_396] : memref<8xf32, #tpu.memory_space<smem>>
      memref.store %swap3A_395, %arg6[%swap3A_396] : memref<8xf32, #tpu.memory_space<smem>>
      %swap3A_398 = arith.constant 0.000000e+00 : f32
      %swap3A_399 = arith.constant 2 : index
      %swap3A_400 = memref.load %arg6[%swap3A_399] : memref<8xf32, #tpu.memory_space<smem>>
      memref.store %swap3A_398, %arg6[%swap3A_399] : memref<8xf32, #tpu.memory_space<smem>>
      %swap3A_401 = arith.constant 0.000000e+00 : f32
      %swap3A_402 = arith.constant 3 : index
      %swap3A_403 = memref.load %arg6[%swap3A_402] : memref<8xf32, #tpu.memory_space<smem>>
      memref.store %swap3A_401, %arg6[%swap3A_402] : memref<8xf32, #tpu.memory_space<smem>>
      %swap3A_404 = arith.constant 0.000000e+00 : f32
      %swap3A_405 = arith.constant 4 : index
      %swap3A_406 = memref.load %arg6[%swap3A_405] : memref<8xf32, #tpu.memory_space<smem>>
      memref.store %swap3A_404, %arg6[%swap3A_405] : memref<8xf32, #tpu.memory_space<smem>>
      %swap3A_407 = arith.constant 0.000000e+00 : f32
      %swap3A_408 = arith.constant 5 : index
      %swap3A_409 = memref.load %arg6[%swap3A_408] : memref<8xf32, #tpu.memory_space<smem>>
      memref.store %swap3A_407, %arg6[%swap3A_408] : memref<8xf32, #tpu.memory_space<smem>>
    } else {
    }
    %get3A = arith.constant 0 : index
    %get3A_2 = arith.constant 0 : index
    %get3A_3 = arith.constant 0 : index
    %get3A_4 = vector.load %arg1[%get3A, %get3A_2, %get3A_3] : memref<1x1x1024xf32, #tpu.memory_space<vmem>>, vector<1x1x1024xf32>
    %get3A_5 = vector.shape_cast %get3A_4 : vector<1x1x1024xf32> to vector<1x1024xf32>
    %get3A_6 = arith.constant 0 : index
    %get3A_7 = arith.constant 0 : index
    %get3A_8 = arith.constant 0 : index
    %get3A_9 = vector.load %arg2[%get3A_6, %get3A_7, %get3A_8] : memref<1x1x1024xf32, #tpu.memory_space<vmem>>, vector<1x1x1024xf32>
    %get3A_10 = vector.shape_cast %get3A_9 : vector<1x1x1024xf32> to vector<1x1024xf32>
    %get3A_11 = arith.constant 0 : index
    %get3A_12 = arith.constant 0 : index
    %get3A_13 = arith.constant 0 : index
    %get3A_14 = vector.load %arg3[%get3A_11, %get3A_12, %get3A_13] : memref<1x1x1024xf32, #tpu.memory_space<vmem>>, vector<1x1x1024xf32>
    %get3A_15 = vector.shape_cast %get3A_14 : vector<1x1x1024xf32> to vector<1x1024xf32>
    %get3A_16 = arith.constant 0 : index
    %get3A_17 = arith.constant 0 : index
    %get3A_18 = arith.constant 0 : index
    %get3A_19 = vector.load %arg4[%get3A_16, %get3A_17, %get3A_18] : memref<1x1024x32xf32, #tpu.memory_space<vmem>>, vector<1x1024x32xf32>
    %get3A_20 = vector.shape_cast %get3A_19 : vector<1x1024x32xf32> to vector<1024x32xf32>
    %ge3A = arith.constant 0.000000e+00 : f32
    %ge3A_21 = vector.broadcast %ge3A : f32 to vector<1x1024xf32>
    %ge3A_22 = arith.cmpf oge, %get3A_10, %ge3A_21 : vector<1x1024xf32>
    %convert_element_type3A_23 = arith.extui %ge3A_22 : vector<1x1024xi1> to vector<1x1024xi32>
    %convert_element_type3A_24 = arith.sitofp %convert_element_type3A_23 : vector<1x1024xi32> to vector<1x1024xf32>
    %mul3A = arith.mulf %get3A_15, %convert_element_type3A_24 : vector<1x1024xf32>
    %reduce_sum3A = vector.shape_cast %convert_element_type3A_24 : vector<1x1024xf32> to vector<1x1x1024xf32>
    %reduce_sum3A_25 = arith.constant dense<0.000000e+00> : vector<1xf32>
    %reduce_sum3A_26 = vector.multi_reduction <add>, %reduce_sum3A, %reduce_sum3A_25 [1, 2] : vector<1x1x1024xf32> to vector<1xf32>
    %reduce_sum3A_27 = vector.shape_cast %reduce_sum3A_26 : vector<1xf32> to vector<1x1x1xf32>
    %reduce_sum3A_28 = vector.extract %reduce_sum3A_27[0, 0, 0] : f32 from vector<1x1x1xf32>
    %reduce_sum3A_29 = vector.shape_cast %mul3A : vector<1x1024xf32> to vector<1x1x1024xf32>
    %reduce_sum3A_30 = arith.constant dense<0.000000e+00> : vector<1xf32>
    %reduce_sum3A_31 = vector.multi_reduction <add>, %reduce_sum3A_29, %reduce_sum3A_30 [1, 2] : vector<1x1x1024xf32> to vector<1xf32>
    %reduce_sum3A_32 = vector.shape_cast %reduce_sum3A_31 : vector<1xf32> to vector<1x1x1xf32>
    %reduce_sum3A_33 = vector.extract %reduce_sum3A_32[0, 0, 0] : f32 from vector<1x1x1xf32>
    %gt3A = arith.constant 0.000000e+00 : f32
    %gt3A_34 = arith.cmpf ogt, %reduce_sum3A_28, %gt3A : f32
    %gt3A_35 = arith.constant 0.000000e+00 : f32
    %gt3A_36 = arith.cmpf ogt, %reduce_sum3A_33, %gt3A_35 : f32
    %and3A = arith.andi %gt3A_34, %gt3A_36 : i1
    %jit3A = arith.constant 1.000000e+00 : f32
    %jit3A_37 = arith.constant 0.000000e+00 : f32
    %select_n3A = arith.select %and3A, %jit3A, %jit3A_37 : f32
    %logistic3A = arith.negf %get3A_5 : vector<1x1024xf32>
    %logistic3A_38 = math.exp %logistic3A : vector<1x1024xf32>
    %logistic3A_39 = arith.constant 1.000000e+00 : f32
    %logistic3A_40 = vector.broadcast %logistic3A_39 : f32 to vector<1x1024xf32>
    %logistic3A_41 = arith.addf %logistic3A_40, %logistic3A_38 : vector<1x1024xf32>
    %logistic3A_42 = arith.divf %logistic3A_40, %logistic3A_41 : vector<1x1024xf32>
    %abs3A = math.absf %get3A_5 : vector<1x1024xf32>
    %neg3A = arith.constant 0.000000e+00 : f32
    %neg3A_43 = vector.broadcast %neg3A : f32 to vector<1x1024xf32>
    %neg3A_44 = arith.subf %neg3A_43, %abs3A : vector<1x1024xf32>
    %exp3A = math.exp %neg3A_44 : vector<1x1024xf32>
    %log1p3A = math.log1p %exp3A : vector<1x1024xf32>
    %max3A = arith.constant 0.000000e+00 : f32
    %max3A_45 = vector.broadcast %max3A : f32 to vector<1x1024xf32>
    %max3A_46 = arith.maximumf %get3A_5, %max3A_45 : vector<1x1024xf32>
    %sub3A = arith.subf %max3A_46, %get3A_5 : vector<1x1024xf32>
    %add3A = arith.addf %sub3A, %log1p3A : vector<1x1024xf32>
    %add3A_47 = arith.addf %max3A_46, %log1p3A : vector<1x1024xf32>
    %sub3A_48 = arith.constant 1.000000e+00 : f32
    %sub3A_49 = vector.broadcast %sub3A_48 : f32 to vector<1x1024xf32>
    %sub3A_50 = arith.subf %sub3A_49, %logistic3A_42 : vector<1x1024xf32>
    %mul3A_51 = arith.constant 7.500000e-01 : f32
    %mul3A_52 = vector.broadcast %mul3A_51 : f32 to vector<1x1024xf32>
    %mul3A_53 = arith.mulf %mul3A_52, %sub3A_50 : vector<1x1024xf32>
    %sub3A_54 = arith.constant 1.000000e+00 : f32
    %sub3A_55 = vector.broadcast %sub3A_54 : f32 to vector<1x1024xf32>
    %sub3A_56 = arith.subf %sub3A_55, %logistic3A_42 : vector<1x1024xf32>
    %mul3A_57 = arith.mulf %mul3A_53, %sub3A_56 : vector<1x1024xf32>
    %mul3A_58 = arith.mulf %mul3A_57, %add3A : vector<1x1024xf32>
    %iota3A = tpu.iota {dimensions = array<i32: 0>} : vector<64x1xi32>
    %convert_element_type3A_59 = arith.sitofp %iota3A : vector<64x1xi32> to vector<64x1xf32>
    %eq3A_60 = vector.broadcast %get3A_10 : vector<1x1024xf32> to vector<64x1024xf32>
    %eq3A_61 = vector.broadcast %convert_element_type3A_59 : vector<64x1xf32> to vector<64x1024xf32>
    %eq3A_62 = arith.cmpf oeq, %eq3A_60, %eq3A_61 : vector<64x1024xf32>
    %jit3A_63 = arith.constant 1.000000e+00 : f32
    %jit3A_64 = arith.constant 0.000000e+00 : f32
    %broadcast_in_dim3A = vector.broadcast %jit3A_63 : f32 to vector<64x1024xf32>
    %broadcast_in_dim3A_65 = vector.broadcast %jit3A_64 : f32 to vector<64x1024xf32>
    %select_n3A_66 = arith.select %eq3A_62, %broadcast_in_dim3A, %broadcast_in_dim3A_65 : vector<64x1024xi1>, vector<64x1024xf32>
    %mul3A_67 = vector.broadcast %get3A_15 : vector<1x1024xf32> to vector<64x1024xf32>
    %mul3A_68 = arith.mulf %select_n3A_66, %mul3A_67 : vector<64x1024xf32>
    %reduce_sum3A_69 = arith.constant dense<0.000000e+00> : vector<64xf32>
    %reduce_sum3A_70 = vector.multi_reduction <add>, %mul3A_68, %reduce_sum3A_69 [1] : vector<64x1024xf32> to vector<64xf32>
    %broadcast_in_dim3A_71 = vector.shape_cast %reduce_sum3A_70 : vector<64xf32> to vector<64x1xf32>
    %reduce_sum3A_72 = arith.constant dense<0.000000e+00> : vector<64xf32>
    %reduce_sum3A_73 = vector.multi_reduction <add>, %select_n3A_66, %reduce_sum3A_72 [1] : vector<64x1024xf32> to vector<64xf32>
    %broadcast_in_dim3A_74 = vector.shape_cast %reduce_sum3A_73 : vector<64xf32> to vector<64x1xf32>
    %gt3A_75 = arith.constant 0.000000e+00 : f32
    %gt3A_76 = vector.broadcast %gt3A_75 : f32 to vector<64x1xf32>
    %gt3A_77 = arith.cmpf ogt, %broadcast_in_dim3A_71, %gt3A_76 : vector<64x1xf32>
    %jit3A_78 = arith.constant 1.000000e+00 : f32
    %jit3A_79 = arith.constant 0.000000e+00 : f32
    %broadcast_in_dim3A_80 = vector.broadcast %jit3A_78 : f32 to vector<64x1xf32>
    %broadcast_in_dim3A_81 = vector.broadcast %jit3A_79 : f32 to vector<64x1xf32>
    %select_n3A_82 = arith.select %gt3A_77, %broadcast_in_dim3A_80, %broadcast_in_dim3A_81 : vector<64x1xi1>, vector<64x1xf32>
    %mul3A_83 = vector.broadcast %mul3A_58 : vector<1x1024xf32> to vector<64x1024xf32>
    %mul3A_84 = arith.mulf %mul3A_68, %mul3A_83 : vector<64x1024xf32>
    %reduce_sum3A_85 = arith.constant dense<0.000000e+00> : vector<64xf32>
    %reduce_sum3A_86 = vector.multi_reduction <add>, %mul3A_84, %reduce_sum3A_85 [1] : vector<64x1024xf32> to vector<64xf32>
    %broadcast_in_dim3A_87 = vector.shape_cast %reduce_sum3A_86 : vector<64xf32> to vector<64x1xf32>
    %max3A_88 = arith.constant 1.000000e+00 : f32
    %max3A_89 = vector.broadcast %max3A_88 : f32 to vector<64x1xf32>
    %max3A_90 = arith.maximumf %broadcast_in_dim3A_71, %max3A_89 : vector<64x1xf32>
    %div3A = arith.divf %broadcast_in_dim3A_87, %max3A_90 : vector<64x1xf32>
    %mul3A_91 = arith.mulf %select_n3A_82, %broadcast_in_dim3A_74 : vector<64x1xf32>
    %mul3A_92 = arith.mulf %mul3A_91, %div3A : vector<64x1xf32>
    %reduce_sum3A_93 = vector.shape_cast %mul3A_92 : vector<64x1xf32> to vector<1x64x1xf32>
    %reduce_sum3A_94 = arith.constant dense<0.000000e+00> : vector<1xf32>
    %reduce_sum3A_95 = vector.multi_reduction <add>, %reduce_sum3A_93, %reduce_sum3A_94 [1, 2] : vector<1x64x1xf32> to vector<1xf32>
    %reduce_sum3A_96 = vector.shape_cast %reduce_sum3A_95 : vector<1xf32> to vector<1x1x1xf32>
    %reduce_sum3A_97 = vector.extract %reduce_sum3A_96[0, 0, 0] : f32 from vector<1x1x1xf32>
    %mul3A_98 = arith.mulf %select_n3A_82, %broadcast_in_dim3A_74 : vector<64x1xf32>
    %reduce_sum3A_99 = vector.shape_cast %mul3A_98 : vector<64x1xf32> to vector<1x64x1xf32>
    %reduce_sum3A_100 = arith.constant dense<0.000000e+00> : vector<1xf32>
    %reduce_sum3A_101 = vector.multi_reduction <add>, %reduce_sum3A_99, %reduce_sum3A_100 [1, 2] : vector<1x64x1xf32> to vector<1xf32>
    %reduce_sum3A_102 = vector.shape_cast %reduce_sum3A_101 : vector<1xf32> to vector<1x1x1xf32>
    %reduce_sum3A_103 = vector.extract %reduce_sum3A_102[0, 0, 0] : f32 from vector<1x1x1xf32>
    %max3A_104 = arith.constant 1.000000e+00 : f32
    %max3A_105 = arith.maximumf %reduce_sum3A_103, %max3A_104 : f32
    %div3A_106 = arith.divf %reduce_sum3A_97, %max3A_105 : f32
    %sub3A_107 = arith.constant 1.000000e+00 : f32
    %sub3A_108 = vector.broadcast %sub3A_107 : f32 to vector<1x1024xf32>
    %sub3A_109 = arith.subf %sub3A_108, %get3A_15 : vector<1x1024xf32>
    %reduce_sum3A_110 = vector.shape_cast %sub3A_109 : vector<1x1024xf32> to vector<1x1x1024xf32>
    %reduce_sum3A_111 = arith.constant dense<0.000000e+00> : vector<1xf32>
    %reduce_sum3A_112 = vector.multi_reduction <add>, %reduce_sum3A_110, %reduce_sum3A_111 [1, 2] : vector<1x1x1024xf32> to vector<1xf32>
    %reduce_sum3A_113 = vector.shape_cast %reduce_sum3A_112 : vector<1xf32> to vector<1x1x1xf32>
    %reduce_sum3A_114 = vector.extract %reduce_sum3A_113[0, 0, 0] : f32 from vector<1x1x1xf32>
    %mul3A_115 = arith.mulf %add3A_47, %sub3A_109 : vector<1x1024xf32>
    %reduce_sum3A_116 = vector.shape_cast %mul3A_115 : vector<1x1024xf32> to vector<1x1x1024xf32>
    %reduce_sum3A_117 = arith.constant dense<0.000000e+00> : vector<1xf32>
    %reduce_sum3A_118 = vector.multi_reduction <add>, %reduce_sum3A_116, %reduce_sum3A_117 [1, 2] : vector<1x1x1024xf32> to vector<1xf32>
    %reduce_sum3A_119 = vector.shape_cast %reduce_sum3A_118 : vector<1xf32> to vector<1x1x1xf32>
    %reduce_sum3A_120 = vector.extract %reduce_sum3A_119[0, 0, 0] : f32 from vector<1x1x1xf32>
    %max3A_121 = arith.constant 1.000000e+00 : f32
    %max3A_122 = arith.maximumf %reduce_sum3A_114, %max3A_121 : f32
    %div3A_123 = arith.divf %reduce_sum3A_120, %max3A_122 : f32
    %reduce_sum3A_124 = vector.shape_cast %get3A_15 : vector<1x1024xf32> to vector<1x1x1024xf32>
    %reduce_sum3A_125 = arith.constant dense<0.000000e+00> : vector<1xf32>
    %reduce_sum3A_126 = vector.multi_reduction <add>, %reduce_sum3A_124, %reduce_sum3A_125 [1, 2] : vector<1x1x1024xf32> to vector<1xf32>
    %reduce_sum3A_127 = vector.shape_cast %reduce_sum3A_126 : vector<1xf32> to vector<1x1x1xf32>
    %reduce_sum3A_128 = vector.extract %reduce_sum3A_127[0, 0, 0] : f32 from vector<1x1x1xf32>
    %sub3A_129 = arith.constant 8.000000e-01 : f32
    %sub3A_130 = vector.broadcast %sub3A_129 : f32 to vector<1x1024xf32>
    %sub3A_131 = arith.subf %sub3A_130, %logistic3A_42 : vector<1x1024xf32>
    %max3A_132 = arith.constant 0.000000e+00 : f32
    %max3A_133 = vector.broadcast %max3A_132 : f32 to vector<1x1024xf32>
    %max3A_134 = arith.maximumf %sub3A_131, %max3A_133 : vector<1x1024xf32>
    %mul3A_135 = arith.mulf %max3A_134, %get3A_15 : vector<1x1024xf32>
    %reduce_sum3A_136 = vector.shape_cast %mul3A_135 : vector<1x1024xf32> to vector<1x1x1024xf32>
    %reduce_sum3A_137 = arith.constant dense<0.000000e+00> : vector<1xf32>
    %reduce_sum3A_138 = vector.multi_reduction <add>, %reduce_sum3A_136, %reduce_sum3A_137 [1, 2] : vector<1x1x1024xf32> to vector<1xf32>
    %reduce_sum3A_139 = vector.shape_cast %reduce_sum3A_138 : vector<1xf32> to vector<1x1x1xf32>
    %reduce_sum3A_140 = vector.extract %reduce_sum3A_139[0, 0, 0] : f32 from vector<1x1x1xf32>
    %max3A_141 = arith.constant 1.000000e+00 : f32
    %max3A_142 = arith.maximumf %reduce_sum3A_128, %max3A_141 : f32
    %div3A_143 = arith.divf %reduce_sum3A_140, %max3A_142 : f32
    %sub3A_144 = arith.constant 2.000000e-01 : f32
    %sub3A_145 = vector.broadcast %sub3A_144 : f32 to vector<1x1024xf32>
    %sub3A_146 = arith.subf %logistic3A_42, %sub3A_145 : vector<1x1024xf32>
    %max3A_147 = arith.constant 0.000000e+00 : f32
    %max3A_148 = vector.broadcast %max3A_147 : f32 to vector<1x1024xf32>
    %max3A_149 = arith.maximumf %sub3A_146, %max3A_148 : vector<1x1024xf32>
    %mul3A_150 = arith.mulf %max3A_149, %sub3A_109 : vector<1x1024xf32>
    %reduce_sum3A_151 = vector.shape_cast %mul3A_150 : vector<1x1024xf32> to vector<1x1x1024xf32>
    %reduce_sum3A_152 = arith.constant dense<0.000000e+00> : vector<1xf32>
    %reduce_sum3A_153 = vector.multi_reduction <add>, %reduce_sum3A_151, %reduce_sum3A_152 [1, 2] : vector<1x1x1024xf32> to vector<1xf32>
    %reduce_sum3A_154 = vector.shape_cast %reduce_sum3A_153 : vector<1xf32> to vector<1x1x1xf32>
    %reduce_sum3A_155 = vector.extract %reduce_sum3A_154[0, 0, 0] : f32 from vector<1x1x1xf32>
    %max3A_156 = arith.constant 1.000000e+00 : f32
    %max3A_157 = arith.maximumf %reduce_sum3A_114, %max3A_156 : f32
    %div3A_158 = arith.divf %reduce_sum3A_155, %max3A_157 : f32
    %eq3A_159 = arith.constant -1.000000e+00 : f32
    %eq3A_160 = vector.broadcast %eq3A_159 : f32 to vector<1x1024xf32>
    %eq3A_161 = arith.cmpf oeq, %get3A_10, %eq3A_160 : vector<1x1024xf32>
    %jit3A_162 = arith.constant 1.000000e+00 : f32
    %jit3A_163 = arith.constant 0.000000e+00 : f32
    %broadcast_in_dim3A_164 = vector.broadcast %jit3A_162 : f32 to vector<1x1024xf32>
    %broadcast_in_dim3A_165 = vector.broadcast %jit3A_163 : f32 to vector<1x1024xf32>
    %select_n3A_166 = arith.select %eq3A_161, %broadcast_in_dim3A_164, %broadcast_in_dim3A_165 : vector<1x1024xi1>, vector<1x1024xf32>
    %reduce_sum3A_167 = vector.shape_cast %select_n3A_166 : vector<1x1024xf32> to vector<1x1x1024xf32>
    %reduce_sum3A_168 = arith.constant dense<0.000000e+00> : vector<1xf32>
    %reduce_sum3A_169 = vector.multi_reduction <add>, %reduce_sum3A_167, %reduce_sum3A_168 [1, 2] : vector<1x1x1024xf32> to vector<1xf32>
    %reduce_sum3A_170 = vector.shape_cast %reduce_sum3A_169 : vector<1xf32> to vector<1x1x1xf32>
    %reduce_sum3A_171 = vector.extract %reduce_sum3A_170[0, 0, 0] : f32 from vector<1x1x1xf32>
    %mul3A_172 = arith.mulf %add3A_47, %select_n3A_166 : vector<1x1024xf32>
    %reduce_sum3A_173 = vector.shape_cast %mul3A_172 : vector<1x1024xf32> to vector<1x1x1024xf32>
    %reduce_sum3A_174 = arith.constant dense<0.000000e+00> : vector<1xf32>
    %reduce_sum3A_175 = vector.multi_reduction <add>, %reduce_sum3A_173, %reduce_sum3A_174 [1, 2] : vector<1x1x1024xf32> to vector<1xf32>
    %reduce_sum3A_176 = vector.shape_cast %reduce_sum3A_175 : vector<1xf32> to vector<1x1x1xf32>
    %reduce_sum3A_177 = vector.extract %reduce_sum3A_176[0, 0, 0] : f32 from vector<1x1x1xf32>
    %max3A_178 = arith.constant 1.000000e+00 : f32
    %max3A_179 = arith.maximumf %reduce_sum3A_171, %max3A_178 : f32
    %div3A_180 = arith.divf %reduce_sum3A_177, %max3A_179 : f32
    %mul3A_181 = arith.constant 1.000000e+01 : f32
    %mul3A_182 = arith.mulf %mul3A_181, %div3A_106 : f32
    %mul3A_183 = arith.constant 3.000000e+00 : f32
    %mul3A_184 = arith.mulf %mul3A_183, %div3A_123 : f32
    %add3A_185 = arith.addf %mul3A_182, %mul3A_184 : f32
    %mul3A_186 = arith.constant 6.000000e+00 : f32
    %mul3A_187 = arith.mulf %mul3A_186, %div3A_180 : f32
    %add3A_188 = arith.addf %add3A_185, %mul3A_187 : f32
    %add3A_189 = arith.addf %div3A_143, %div3A_158 : f32
    %mul3A_190 = arith.constant 1.000000e+01 : f32
    %mul3A_191 = arith.mulf %mul3A_190, %add3A_189 : f32
    %add3A_192 = arith.addf %add3A_188, %mul3A_191 : f32
    %mul3A_193 = arith.mulf %get3A_20, %get3A_20 : vector<1024x32xf32>
    %reduce_sum3A_194 = arith.constant dense<0.000000e+00> : vector<1024xf32>
    %reduce_sum3A_195 = vector.multi_reduction <add>, %mul3A_193, %reduce_sum3A_194 [1] : vector<1024x32xf32> to vector<1024xf32>
    %broadcast_in_dim3A_196 = vector.shape_cast %reduce_sum3A_195 : vector<1024xf32> to vector<1024x1xf32>
    %dot_general3A = arith.constant dense<0.000000e+00> : vector<64x32xf32>
    %dot_general3A_197 = tpu.matmul %select_n3A_66, %get3A_20, %dot_general3A {dimension_numbers = #tpu.dot_dimension_numbers<[1], [0], [0], [1], [0, 0, 1, 1], [], []>, transpose_lhs_hint = false} : vector<64x1024xf32>, vector<1024x32xf32>, vector<64x32xf32> -> vector<64x32xf32>
    %dot_general3A_198 = arith.constant dense<0.000000e+00> : vector<64x1xf32>
    %dot_general3A_199 = tpu.matmul %select_n3A_66, %broadcast_in_dim3A_196, %dot_general3A_198 {dimension_numbers = #tpu.dot_dimension_numbers<[1], [0], [0], [1], [0, 0, 1, 1], [], []>, transpose_lhs_hint = false} : vector<64x1024xf32>, vector<1024x1xf32>, vector<64x1xf32> -> vector<64x1xf32>
    %iota3A_200 = tpu.iota {dimensions = array<i32: 1>} : vector<64x1024xi32>
    %convert_element_type3A_201 = arith.sitofp %iota3A_200 : vector<64x1024xi32> to vector<64x1024xf32>
    %gt3A_202 = arith.constant 0.000000e+00 : f32
    %gt3A_203 = vector.broadcast %gt3A_202 : f32 to vector<64x1024xf32>
    %gt3A_204 = arith.cmpf ogt, %mul3A_68, %gt3A_203 : vector<64x1024xf32>
    %jit3A_205 = arith.constant 1.024000e+03 : f32
    %broadcast_in_dim3A_206 = vector.broadcast %jit3A_205 : f32 to vector<64x1024xf32>
    %select_n3A_207 = arith.select %gt3A_204, %convert_element_type3A_201, %broadcast_in_dim3A_206 : vector<64x1024xi1>, vector<64x1024xf32>
    %reduce_min3A = arith.constant dense<0x7F800000> : vector<64xf32>
    %reduce_min3A_208 = vector.multi_reduction <minimumf>, %select_n3A_207, %reduce_min3A [1] : vector<64x1024xf32> to vector<64xf32>
    %broadcast_in_dim3A_209 = vector.shape_cast %reduce_min3A_208 : vector<64xf32> to vector<64x1xf32>
    %eq3A_210 = vector.broadcast %broadcast_in_dim3A_209 : vector<64x1xf32> to vector<64x1024xf32>
    %eq3A_211 = arith.cmpf oeq, %convert_element_type3A_201, %eq3A_210 : vector<64x1024xf32>
    %jit3A_212 = arith.constant 1.000000e+00 : f32
    %jit3A_213 = arith.constant 0.000000e+00 : f32
    %broadcast_in_dim3A_214 = vector.broadcast %jit3A_212 : f32 to vector<64x1024xf32>
    %broadcast_in_dim3A_215 = vector.broadcast %jit3A_213 : f32 to vector<64x1024xf32>
    %select_n3A_216 = arith.select %eq3A_211, %broadcast_in_dim3A_214, %broadcast_in_dim3A_215 : vector<64x1024xi1>, vector<64x1024xf32>
    %dot_general3A_217 = arith.constant dense<0.000000e+00> : vector<64x32xf32>
    %dot_general3A_218 = tpu.matmul %select_n3A_216, %get3A_20, %dot_general3A_217 {dimension_numbers = #tpu.dot_dimension_numbers<[1], [0], [0], [1], [0, 0, 1, 1], [], []>, transpose_lhs_hint = false} : vector<64x1024xf32>, vector<1024x32xf32>, vector<64x32xf32> -> vector<64x32xf32>
    %mul3A_219 = arith.mulf %dot_general3A_218, %dot_general3A_218 : vector<64x32xf32>
    %reduce_sum3A_220 = arith.constant dense<0.000000e+00> : vector<64xf32>
    %reduce_sum3A_221 = vector.multi_reduction <add>, %mul3A_219, %reduce_sum3A_220 [1] : vector<64x32xf32> to vector<64xf32>
    %broadcast_in_dim3A_222 = vector.shape_cast %reduce_sum3A_221 : vector<64xf32> to vector<64x1xf32>
    %mul3A_223 = arith.mulf %dot_general3A_218, %dot_general3A_197 : vector<64x32xf32>
    %reduce_sum3A_224 = arith.constant dense<0.000000e+00> : vector<64xf32>
    %reduce_sum3A_225 = vector.multi_reduction <add>, %mul3A_223, %reduce_sum3A_224 [1] : vector<64x32xf32> to vector<64xf32>
    %broadcast_in_dim3A_226 = vector.shape_cast %reduce_sum3A_225 : vector<64xf32> to vector<64x1xf32>
    %mul3A_227 = arith.constant 2.000000e+00 : f32
    %mul3A_228 = vector.broadcast %mul3A_227 : f32 to vector<64x1xf32>
    %mul3A_229 = arith.mulf %mul3A_228, %broadcast_in_dim3A_226 : vector<64x1xf32>
    %sub3A_230 = arith.subf %dot_general3A_199, %mul3A_229 : vector<64x1xf32>
    %mul3A_231 = arith.mulf %broadcast_in_dim3A_74, %broadcast_in_dim3A_222 : vector<64x1xf32>
    %add3A_232 = arith.addf %sub3A_230, %mul3A_231 : vector<64x1xf32>
    %max3A_233 = arith.constant 1.000000e+00 : f32
    %max3A_234 = vector.broadcast %max3A_233 : f32 to vector<64x1xf32>
    %max3A_235 = arith.maximumf %broadcast_in_dim3A_74, %max3A_234 : vector<64x1xf32>
    %div3A_236 = arith.divf %add3A_232, %max3A_235 : vector<64x1xf32>
    %mul3A_237 = arith.mulf %select_n3A_82, %div3A_236 : vector<64x1xf32>
    %reduce_sum3A_238 = vector.shape_cast %mul3A_237 : vector<64x1xf32> to vector<1x64x1xf32>
    %reduce_sum3A_239 = arith.constant dense<0.000000e+00> : vector<1xf32>
    %reduce_sum3A_240 = vector.multi_reduction <add>, %reduce_sum3A_238, %reduce_sum3A_239 [1, 2] : vector<1x64x1xf32> to vector<1xf32>
    %reduce_sum3A_241 = vector.shape_cast %reduce_sum3A_240 : vector<1xf32> to vector<1x1x1xf32>
    %reduce_sum3A_242 = vector.extract %reduce_sum3A_241[0, 0, 0] : f32 from vector<1x1x1xf32>
    %mul3A_243 = arith.constant 1.000000e+00 : f32
    %mul3A_244 = arith.mulf %mul3A_243, %reduce_sum3A_242 : f32
    %get3A_245 = arith.constant 0 : index
    %get3A_246 = arith.constant 0 : index
    %get3A_247 = arith.constant 0 : index
    %get3A_248 = vector.load %arg5[%get3A_245, %get3A_246, %get3A_247] : memref<1x1024x32xf32, #tpu.memory_space<vmem>>, vector<1x1024x32xf32>
    %get3A_249 = vector.shape_cast %get3A_248 : vector<1x1024x32xf32> to vector<1024x32xf32>
    %mul3A_250 = arith.mulf %get3A_249, %get3A_249 : vector<1024x32xf32>
    %reduce_sum3A_251 = arith.constant dense<0.000000e+00> : vector<1024xf32>
    %reduce_sum3A_252 = vector.multi_reduction <add>, %mul3A_250, %reduce_sum3A_251 [1] : vector<1024x32xf32> to vector<1024xf32>
    %broadcast_in_dim3A_253 = vector.shape_cast %reduce_sum3A_252 : vector<1024xf32> to vector<1024x1xf32>
    %broadcast_in_dim3A_254 = arith.constant 1.000000e+00 : f32
    %broadcast_in_dim3A_255 = vector.broadcast %broadcast_in_dim3A_254 : f32 to vector<1x32xf32>
    %dot_general3A_256 = arith.constant dense<0.000000e+00> : vector<1x1024xf32>
    %dot_general3A_257 = tpu.matmul %broadcast_in_dim3A_255, %mul3A_250, %dot_general3A_256 {dimension_numbers = #tpu.dot_dimension_numbers<[1], [1], [0], [0], [0, 0, 1, 0], [], []>, transpose_lhs_hint = false} : vector<1x32xf32>, vector<1024x32xf32>, vector<1x1024xf32> -> vector<1x1024xf32>
    %iota3A_258 = tpu.iota {dimensions = array<i32: 1>} : vector<1x1024xi32>
    %convert_element_type3A_259 = arith.sitofp %iota3A_258 : vector<1x1024xi32> to vector<1x1024xf32>
    %lt3A = vector.broadcast %reduce_sum3A_33 : f32 to vector<1x1024xf32>
    %lt3A_260 = arith.cmpf olt, %convert_element_type3A_259, %lt3A : vector<1x1024xf32>
    %jit3A_261 = arith.constant 1.000000e+00 : f32
    %jit3A_262 = arith.constant 0.000000e+00 : f32
    %broadcast_in_dim3A_263 = vector.broadcast %jit3A_261 : f32 to vector<1x1024xf32>
    %broadcast_in_dim3A_264 = vector.broadcast %jit3A_262 : f32 to vector<1x1024xf32>
    %select_n3A_265 = arith.select %lt3A_260, %broadcast_in_dim3A_263, %broadcast_in_dim3A_264 : vector<1x1024xi1>, vector<1x1024xf32>
    %swap3A = arith.constant 0.000000e+00 : f32
    %swap3A_266 = arith.constant 6 : index
    %swap3A_267 = memref.load %arg6[%swap3A_266] : memref<8xf32, #tpu.memory_space<smem>>
    memref.store %swap3A, %arg6[%swap3A_266] : memref<8xf32, #tpu.memory_space<smem>>
    %slice3A = vector.extract_strided_slice %get3A_249 {offsets = [0, 0], sizes = [256, 32], strides = [1, 1]} : vector<1024x32xf32> to vector<256x32xf32>
    %slice3A_268 = vector.extract_strided_slice %broadcast_in_dim3A_253 {offsets = [0, 0], sizes = [256, 1], strides = [1, 1]} : vector<1024x1xf32> to vector<256x1xf32>
    %slice3A_269 = vector.extract_strided_slice %select_n3A_265 {offsets = [0, 0], sizes = [1, 256], strides = [1, 1]} : vector<1x1024xf32> to vector<1x256xf32>
    %gt3A_270 = arith.constant 0.000000e+00 : f32
    %gt3A_271 = arith.cmpf ogt, %reduce_sum3A_33, %gt3A_270 : f32
    %convert_element_type3A_272 = arith.extui %gt3A_271 : i1 to i32
    %cond3A_273 = arith.constant 0 : i32
    %cond3A_274 = arith.cmpi ne, %convert_element_type3A_272, %cond3A_273 : i32
    scf.if %cond3A_274 {
      %slice3A_392 = vector.extract_strided_slice %get3A_249 {offsets = [0, 0], sizes = [256, 32], strides = [1, 1]} : vector<1024x32xf32> to vector<256x32xf32>
      %slice3A_393 = vector.extract_strided_slice %dot_general3A_257 {offsets = [0, 0], sizes = [1, 256], strides = [1, 1]} : vector<1x1024xf32> to vector<1x256xf32>
      %dot_general3A_394 = arith.constant dense<0.000000e+00> : vector<256x256xf32>
      %dot_general3A_395 = tpu.matmul %slice3A, %slice3A_392, %dot_general3A_394 {dimension_numbers = #tpu.dot_dimension_numbers<[1], [1], [0], [0], [0, 0, 1, 0], [], []>, transpose_lhs_hint = false} : vector<256x32xf32>, vector<256x32xf32>, vector<256x256xf32> -> vector<256x256xf32>
      %add3A_396 = vector.broadcast %slice3A_268 : vector<256x1xf32> to vector<256x256xf32>
      %add3A_397 = vector.broadcast %slice3A_393 : vector<1x256xf32> to vector<256x256xf32>
      %add3A_398 = arith.addf %add3A_396, %add3A_397 : vector<256x256xf32>
      %mul3A_399 = arith.constant 2.000000e+00 : f32
      %mul3A_400 = vector.broadcast %mul3A_399 : f32 to vector<256x256xf32>
      %mul3A_401 = arith.mulf %mul3A_400, %dot_general3A_395 : vector<256x256xf32>
      %sub3A_402 = arith.subf %add3A_398, %mul3A_401 : vector<256x256xf32>
      %max3A_403 = arith.constant 0.000000e+00 : f32
      %max3A_404 = vector.broadcast %max3A_403 : f32 to vector<256x256xf32>
      %max3A_405 = arith.maximumf %sub3A_402, %max3A_404 : vector<256x256xf32>
      %neg3A_406 = arith.constant 0.000000e+00 : f32
      %neg3A_407 = vector.broadcast %neg3A_406 : f32 to vector<256x256xf32>
      %neg3A_408 = arith.subf %neg3A_407, %max3A_405 : vector<256x256xf32>
      %exp3A_409 = math.exp %neg3A_408 : vector<256x256xf32>
      %slice3A_410 = vector.extract_strided_slice %select_n3A_265 {offsets = [0, 0], sizes = [1, 256], strides = [1, 1]} : vector<1x1024xf32> to vector<1x256xf32>
      %dot_general3A_411 = arith.constant dense<0.000000e+00> : vector<1x256xf32>
      %dot_general3A_412 = tpu.matmul %slice3A_269, %exp3A_409, %dot_general3A_411 {dimension_numbers = #tpu.dot_dimension_numbers<[1], [0], [0], [1], [0, 0, 1, 1], [], []>, transpose_lhs_hint = false} : vector<1x256xf32>, vector<256x256xf32>, vector<1x256xf32> -> vector<1x256xf32>
      %get3A_413 = arith.constant 6 : index
      %get3A_414 = memref.load %arg6[%get3A_413] : memref<8xf32, #tpu.memory_space<smem>>
      %mul3A_415 = arith.mulf %dot_general3A_412, %slice3A_410 : vector<1x256xf32>
      %reduce_sum3A_416 = vector.shape_cast %mul3A_415 : vector<1x256xf32> to vector<1x1x256xf32>
      %reduce_sum3A_417 = arith.constant dense<0.000000e+00> : vector<1xf32>
      %reduce_sum3A_418 = vector.multi_reduction <add>, %reduce_sum3A_416, %reduce_sum3A_417 [1, 2] : vector<1x1x256xf32> to vector<1xf32>
      %reduce_sum3A_419 = vector.shape_cast %reduce_sum3A_418 : vector<1xf32> to vector<1x1x1xf32>
      %reduce_sum3A_420 = vector.extract %reduce_sum3A_419[0, 0, 0] : f32 from vector<1x1x1xf32>
      %mul3A_421 = arith.constant 1.000000e+00 : f32
      %mul3A_422 = arith.mulf %mul3A_421, %reduce_sum3A_420 : f32
      %add3A_423 = arith.addf %get3A_414, %mul3A_422 : f32
      %swap3A_424 = arith.constant 6 : index
      %swap3A_425 = memref.load %arg6[%swap3A_424] : memref<8xf32, #tpu.memory_space<smem>>
      memref.store %add3A_423, %arg6[%swap3A_424] : memref<8xf32, #tpu.memory_space<smem>>
    } else {
    }
    %gt3A_275 = arith.constant 2.560000e+02 : f32
    %gt3A_276 = arith.cmpf ogt, %reduce_sum3A_33, %gt3A_275 : f32
    %convert_element_type3A_277 = arith.extui %gt3A_276 : i1 to i32
    %cond3A_278 = arith.constant 0 : i32
    %cond3A_279 = arith.cmpi ne, %convert_element_type3A_277, %cond3A_278 : i32
    scf.if %cond3A_279 {
      %slice3A_392 = vector.extract_strided_slice %get3A_249 {offsets = [256, 0], sizes = [256, 32], strides = [1, 1]} : vector<1024x32xf32> to vector<256x32xf32>
      %slice3A_393 = vector.extract_strided_slice %dot_general3A_257 {offsets = [0, 256], sizes = [1, 256], strides = [1, 1]} : vector<1x1024xf32> to vector<1x256xf32>
      %dot_general3A_394 = arith.constant dense<0.000000e+00> : vector<256x256xf32>
      %dot_general3A_395 = tpu.matmul %slice3A, %slice3A_392, %dot_general3A_394 {dimension_numbers = #tpu.dot_dimension_numbers<[1], [1], [0], [0], [0, 0, 1, 0], [], []>, transpose_lhs_hint = false} : vector<256x32xf32>, vector<256x32xf32>, vector<256x256xf32> -> vector<256x256xf32>
      %add3A_396 = vector.broadcast %slice3A_268 : vector<256x1xf32> to vector<256x256xf32>
      %add3A_397 = vector.broadcast %slice3A_393 : vector<1x256xf32> to vector<256x256xf32>
      %add3A_398 = arith.addf %add3A_396, %add3A_397 : vector<256x256xf32>
      %mul3A_399 = arith.constant 2.000000e+00 : f32
      %mul3A_400 = vector.broadcast %mul3A_399 : f32 to vector<256x256xf32>
      %mul3A_401 = arith.mulf %mul3A_400, %dot_general3A_395 : vector<256x256xf32>
      %sub3A_402 = arith.subf %add3A_398, %mul3A_401 : vector<256x256xf32>
      %max3A_403 = arith.constant 0.000000e+00 : f32
      %max3A_404 = vector.broadcast %max3A_403 : f32 to vector<256x256xf32>
      %max3A_405 = arith.maximumf %sub3A_402, %max3A_404 : vector<256x256xf32>
      %neg3A_406 = arith.constant 0.000000e+00 : f32
      %neg3A_407 = vector.broadcast %neg3A_406 : f32 to vector<256x256xf32>
      %neg3A_408 = arith.subf %neg3A_407, %max3A_405 : vector<256x256xf32>
      %exp3A_409 = math.exp %neg3A_408 : vector<256x256xf32>
      %slice3A_410 = vector.extract_strided_slice %select_n3A_265 {offsets = [0, 256], sizes = [1, 256], strides = [1, 1]} : vector<1x1024xf32> to vector<1x256xf32>
      %dot_general3A_411 = arith.constant dense<0.000000e+00> : vector<1x256xf32>
      %dot_general3A_412 = tpu.matmul %slice3A_269, %exp3A_409, %dot_general3A_411 {dimension_numbers = #tpu.dot_dimension_numbers<[1], [0], [0], [1], [0, 0, 1, 1], [], []>, transpose_lhs_hint = false} : vector<1x256xf32>, vector<256x256xf32>, vector<1x256xf32> -> vector<1x256xf32>
      %get3A_413 = arith.constant 6 : index
      %get3A_414 = memref.load %arg6[%get3A_413] : memref<8xf32, #tpu.memory_space<smem>>
      %mul3A_415 = arith.mulf %dot_general3A_412, %slice3A_410 : vector<1x256xf32>
      %reduce_sum3A_416 = vector.shape_cast %mul3A_415 : vector<1x256xf32> to vector<1x1x256xf32>
      %reduce_sum3A_417 = arith.constant dense<0.000000e+00> : vector<1xf32>
      %reduce_sum3A_418 = vector.multi_reduction <add>, %reduce_sum3A_416, %reduce_sum3A_417 [1, 2] : vector<1x1x256xf32> to vector<1xf32>
      %reduce_sum3A_419 = vector.shape_cast %reduce_sum3A_418 : vector<1xf32> to vector<1x1x1xf32>
      %reduce_sum3A_420 = vector.extract %reduce_sum3A_419[0, 0, 0] : f32 from vector<1x1x1xf32>
      %mul3A_421 = arith.constant 2.000000e+00 : f32
      %mul3A_422 = arith.mulf %mul3A_421, %reduce_sum3A_420 : f32
      %add3A_423 = arith.addf %get3A_414, %mul3A_422 : f32
      %swap3A_424 = arith.constant 6 : index
      %swap3A_425 = memref.load %arg6[%swap3A_424] : memref<8xf32, #tpu.memory_space<smem>>
      memref.store %add3A_423, %arg6[%swap3A_424] : memref<8xf32, #tpu.memory_space<smem>>
    } else {
    }
    %gt3A_280 = arith.constant 5.120000e+02 : f32
    %gt3A_281 = arith.cmpf ogt, %reduce_sum3A_33, %gt3A_280 : f32
    %convert_element_type3A_282 = arith.extui %gt3A_281 : i1 to i32
    %cond3A_283 = arith.constant 0 : i32
    %cond3A_284 = arith.cmpi ne, %convert_element_type3A_282, %cond3A_283 : i32
    scf.if %cond3A_284 {
      %slice3A_392 = vector.extract_strided_slice %get3A_249 {offsets = [512, 0], sizes = [256, 32], strides = [1, 1]} : vector<1024x32xf32> to vector<256x32xf32>
      %slice3A_393 = vector.extract_strided_slice %dot_general3A_257 {offsets = [0, 512], sizes = [1, 256], strides = [1, 1]} : vector<1x1024xf32> to vector<1x256xf32>
      %dot_general3A_394 = arith.constant dense<0.000000e+00> : vector<256x256xf32>
      %dot_general3A_395 = tpu.matmul %slice3A, %slice3A_392, %dot_general3A_394 {dimension_numbers = #tpu.dot_dimension_numbers<[1], [1], [0], [0], [0, 0, 1, 0], [], []>, transpose_lhs_hint = false} : vector<256x32xf32>, vector<256x32xf32>, vector<256x256xf32> -> vector<256x256xf32>
      %add3A_396 = vector.broadcast %slice3A_268 : vector<256x1xf32> to vector<256x256xf32>
      %add3A_397 = vector.broadcast %slice3A_393 : vector<1x256xf32> to vector<256x256xf32>
      %add3A_398 = arith.addf %add3A_396, %add3A_397 : vector<256x256xf32>
      %mul3A_399 = arith.constant 2.000000e+00 : f32
      %mul3A_400 = vector.broadcast %mul3A_399 : f32 to vector<256x256xf32>
      %mul3A_401 = arith.mulf %mul3A_400, %dot_general3A_395 : vector<256x256xf32>
      %sub3A_402 = arith.subf %add3A_398, %mul3A_401 : vector<256x256xf32>
      %max3A_403 = arith.constant 0.000000e+00 : f32
      %max3A_404 = vector.broadcast %max3A_403 : f32 to vector<256x256xf32>
      %max3A_405 = arith.maximumf %sub3A_402, %max3A_404 : vector<256x256xf32>
      %neg3A_406 = arith.constant 0.000000e+00 : f32
      %neg3A_407 = vector.broadcast %neg3A_406 : f32 to vector<256x256xf32>
      %neg3A_408 = arith.subf %neg3A_407, %max3A_405 : vector<256x256xf32>
      %exp3A_409 = math.exp %neg3A_408 : vector<256x256xf32>
      %slice3A_410 = vector.extract_strided_slice %select_n3A_265 {offsets = [0, 512], sizes = [1, 256], strides = [1, 1]} : vector<1x1024xf32> to vector<1x256xf32>
      %dot_general3A_411 = arith.constant dense<0.000000e+00> : vector<1x256xf32>
      %dot_general3A_412 = tpu.matmul %slice3A_269, %exp3A_409, %dot_general3A_411 {dimension_numbers = #tpu.dot_dimension_numbers<[1], [0], [0], [1], [0, 0, 1, 1], [], []>, transpose_lhs_hint = false} : vector<1x256xf32>, vector<256x256xf32>, vector<1x256xf32> -> vector<1x256xf32>
      %get3A_413 = arith.constant 6 : index
      %get3A_414 = memref.load %arg6[%get3A_413] : memref<8xf32, #tpu.memory_space<smem>>
      %mul3A_415 = arith.mulf %dot_general3A_412, %slice3A_410 : vector<1x256xf32>
      %reduce_sum3A_416 = vector.shape_cast %mul3A_415 : vector<1x256xf32> to vector<1x1x256xf32>
      %reduce_sum3A_417 = arith.constant dense<0.000000e+00> : vector<1xf32>
      %reduce_sum3A_418 = vector.multi_reduction <add>, %reduce_sum3A_416, %reduce_sum3A_417 [1, 2] : vector<1x1x256xf32> to vector<1xf32>
      %reduce_sum3A_419 = vector.shape_cast %reduce_sum3A_418 : vector<1xf32> to vector<1x1x1xf32>
      %reduce_sum3A_420 = vector.extract %reduce_sum3A_419[0, 0, 0] : f32 from vector<1x1x1xf32>
      %mul3A_421 = arith.constant 2.000000e+00 : f32
      %mul3A_422 = arith.mulf %mul3A_421, %reduce_sum3A_420 : f32
      %add3A_423 = arith.addf %get3A_414, %mul3A_422 : f32
      %swap3A_424 = arith.constant 6 : index
      %swap3A_425 = memref.load %arg6[%swap3A_424] : memref<8xf32, #tpu.memory_space<smem>>
      memref.store %add3A_423, %arg6[%swap3A_424] : memref<8xf32, #tpu.memory_space<smem>>
    } else {
    }
    %gt3A_285 = arith.constant 7.680000e+02 : f32
    %gt3A_286 = arith.cmpf ogt, %reduce_sum3A_33, %gt3A_285 : f32
    %convert_element_type3A_287 = arith.extui %gt3A_286 : i1 to i32
    %cond3A_288 = arith.constant 0 : i32
    %cond3A_289 = arith.cmpi ne, %convert_element_type3A_287, %cond3A_288 : i32
    scf.if %cond3A_289 {
      %slice3A_392 = vector.extract_strided_slice %get3A_249 {offsets = [768, 0], sizes = [256, 32], strides = [1, 1]} : vector<1024x32xf32> to vector<256x32xf32>
      %slice3A_393 = vector.extract_strided_slice %dot_general3A_257 {offsets = [0, 768], sizes = [1, 256], strides = [1, 1]} : vector<1x1024xf32> to vector<1x256xf32>
      %dot_general3A_394 = arith.constant dense<0.000000e+00> : vector<256x256xf32>
      %dot_general3A_395 = tpu.matmul %slice3A, %slice3A_392, %dot_general3A_394 {dimension_numbers = #tpu.dot_dimension_numbers<[1], [1], [0], [0], [0, 0, 1, 0], [], []>, transpose_lhs_hint = false} : vector<256x32xf32>, vector<256x32xf32>, vector<256x256xf32> -> vector<256x256xf32>
      %add3A_396 = vector.broadcast %slice3A_268 : vector<256x1xf32> to vector<256x256xf32>
      %add3A_397 = vector.broadcast %slice3A_393 : vector<1x256xf32> to vector<256x256xf32>
      %add3A_398 = arith.addf %add3A_396, %add3A_397 : vector<256x256xf32>
      %mul3A_399 = arith.constant 2.000000e+00 : f32
      %mul3A_400 = vector.broadcast %mul3A_399 : f32 to vector<256x256xf32>
      %mul3A_401 = arith.mulf %mul3A_400, %dot_general3A_395 : vector<256x256xf32>
      %sub3A_402 = arith.subf %add3A_398, %mul3A_401 : vector<256x256xf32>
      %max3A_403 = arith.constant 0.000000e+00 : f32
      %max3A_404 = vector.broadcast %max3A_403 : f32 to vector<256x256xf32>
      %max3A_405 = arith.maximumf %sub3A_402, %max3A_404 : vector<256x256xf32>
      %neg3A_406 = arith.constant 0.000000e+00 : f32
      %neg3A_407 = vector.broadcast %neg3A_406 : f32 to vector<256x256xf32>
      %neg3A_408 = arith.subf %neg3A_407, %max3A_405 : vector<256x256xf32>
      %exp3A_409 = math.exp %neg3A_408 : vector<256x256xf32>
      %slice3A_410 = vector.extract_strided_slice %select_n3A_265 {offsets = [0, 768], sizes = [1, 256], strides = [1, 1]} : vector<1x1024xf32> to vector<1x256xf32>
      %dot_general3A_411 = arith.constant dense<0.000000e+00> : vector<1x256xf32>
      %dot_general3A_412 = tpu.matmul %slice3A_269, %exp3A_409, %dot_general3A_411 {dimension_numbers = #tpu.dot_dimension_numbers<[1], [0], [0], [1], [0, 0, 1, 1], [], []>, transpose_lhs_hint = false} : vector<1x256xf32>, vector<256x256xf32>, vector<1x256xf32> -> vector<1x256xf32>
      %get3A_413 = arith.constant 6 : index
      %get3A_414 = memref.load %arg6[%get3A_413] : memref<8xf32, #tpu.memory_space<smem>>
      %mul3A_415 = arith.mulf %dot_general3A_412, %slice3A_410 : vector<1x256xf32>
      %reduce_sum3A_416 = vector.shape_cast %mul3A_415 : vector<1x256xf32> to vector<1x1x256xf32>
      %reduce_sum3A_417 = arith.constant dense<0.000000e+00> : vector<1xf32>
      %reduce_sum3A_418 = vector.multi_reduction <add>, %reduce_sum3A_416, %reduce_sum3A_417 [1, 2] : vector<1x1x256xf32> to vector<1xf32>
      %reduce_sum3A_419 = vector.shape_cast %reduce_sum3A_418 : vector<1xf32> to vector<1x1x1xf32>
      %reduce_sum3A_420 = vector.extract %reduce_sum3A_419[0, 0, 0] : f32 from vector<1x1x1xf32>
      %mul3A_421 = arith.constant 2.000000e+00 : f32
      %mul3A_422 = arith.mulf %mul3A_421, %reduce_sum3A_420 : f32
      %add3A_423 = arith.addf %get3A_414, %mul3A_422 : f32
      %swap3A_424 = arith.constant 6 : index
      %swap3A_425 = memref.load %arg6[%swap3A_424] : memref<8xf32, #tpu.memory_space<smem>>
      memref.store %add3A_423, %arg6[%swap3A_424] : memref<8xf32, #tpu.memory_space<smem>>
    } else {
    }
    %slice3A_290 = vector.extract_strided_slice %get3A_249 {offsets = [256, 0], sizes = [256, 32], strides = [1, 1]} : vector<1024x32xf32> to vector<256x32xf32>
    %slice3A_291 = vector.extract_strided_slice %broadcast_in_dim3A_253 {offsets = [256, 0], sizes = [256, 1], strides = [1, 1]} : vector<1024x1xf32> to vector<256x1xf32>
    %slice3A_292 = vector.extract_strided_slice %select_n3A_265 {offsets = [0, 256], sizes = [1, 256], strides = [1, 1]} : vector<1x1024xf32> to vector<1x256xf32>
    %gt3A_293 = arith.constant 2.560000e+02 : f32
    %gt3A_294 = arith.cmpf ogt, %reduce_sum3A_33, %gt3A_293 : f32
    %convert_element_type3A_295 = arith.extui %gt3A_294 : i1 to i32
    %cond3A_296 = arith.constant 0 : i32
    %cond3A_297 = arith.cmpi ne, %convert_element_type3A_295, %cond3A_296 : i32
    scf.if %cond3A_297 {
      %slice3A_392 = vector.extract_strided_slice %get3A_249 {offsets = [256, 0], sizes = [256, 32], strides = [1, 1]} : vector<1024x32xf32> to vector<256x32xf32>
      %slice3A_393 = vector.extract_strided_slice %dot_general3A_257 {offsets = [0, 256], sizes = [1, 256], strides = [1, 1]} : vector<1x1024xf32> to vector<1x256xf32>
      %dot_general3A_394 = arith.constant dense<0.000000e+00> : vector<256x256xf32>
      %dot_general3A_395 = tpu.matmul %slice3A_290, %slice3A_392, %dot_general3A_394 {dimension_numbers = #tpu.dot_dimension_numbers<[1], [1], [0], [0], [0, 0, 1, 0], [], []>, transpose_lhs_hint = false} : vector<256x32xf32>, vector<256x32xf32>, vector<256x256xf32> -> vector<256x256xf32>
      %add3A_396 = vector.broadcast %slice3A_291 : vector<256x1xf32> to vector<256x256xf32>
      %add3A_397 = vector.broadcast %slice3A_393 : vector<1x256xf32> to vector<256x256xf32>
      %add3A_398 = arith.addf %add3A_396, %add3A_397 : vector<256x256xf32>
      %mul3A_399 = arith.constant 2.000000e+00 : f32
      %mul3A_400 = vector.broadcast %mul3A_399 : f32 to vector<256x256xf32>
      %mul3A_401 = arith.mulf %mul3A_400, %dot_general3A_395 : vector<256x256xf32>
      %sub3A_402 = arith.subf %add3A_398, %mul3A_401 : vector<256x256xf32>
      %max3A_403 = arith.constant 0.000000e+00 : f32
      %max3A_404 = vector.broadcast %max3A_403 : f32 to vector<256x256xf32>
      %max3A_405 = arith.maximumf %sub3A_402, %max3A_404 : vector<256x256xf32>
      %neg3A_406 = arith.constant 0.000000e+00 : f32
      %neg3A_407 = vector.broadcast %neg3A_406 : f32 to vector<256x256xf32>
      %neg3A_408 = arith.subf %neg3A_407, %max3A_405 : vector<256x256xf32>
      %exp3A_409 = math.exp %neg3A_408 : vector<256x256xf32>
      %slice3A_410 = vector.extract_strided_slice %select_n3A_265 {offsets = [0, 256], sizes = [1, 256], strides = [1, 1]} : vector<1x1024xf32> to vector<1x256xf32>
      %dot_general3A_411 = arith.constant dense<0.000000e+00> : vector<1x256xf32>
      %dot_general3A_412 = tpu.matmul %slice3A_292, %exp3A_409, %dot_general3A_411 {dimension_numbers = #tpu.dot_dimension_numbers<[1], [0], [0], [1], [0, 0, 1, 1], [], []>, transpose_lhs_hint = false} : vector<1x256xf32>, vector<256x256xf32>, vector<1x256xf32> -> vector<1x256xf32>
      %get3A_413 = arith.constant 6 : index
      %get3A_414 = memref.load %arg6[%get3A_413] : memref<8xf32, #tpu.memory_space<smem>>
      %mul3A_415 = arith.mulf %dot_general3A_412, %slice3A_410 : vector<1x256xf32>
      %reduce_sum3A_416 = vector.shape_cast %mul3A_415 : vector<1x256xf32> to vector<1x1x256xf32>
      %reduce_sum3A_417 = arith.constant dense<0.000000e+00> : vector<1xf32>
      %reduce_sum3A_418 = vector.multi_reduction <add>, %reduce_sum3A_416, %reduce_sum3A_417 [1, 2] : vector<1x1x256xf32> to vector<1xf32>
      %reduce_sum3A_419 = vector.shape_cast %reduce_sum3A_418 : vector<1xf32> to vector<1x1x1xf32>
      %reduce_sum3A_420 = vector.extract %reduce_sum3A_419[0, 0, 0] : f32 from vector<1x1x1xf32>
      %mul3A_421 = arith.constant 1.000000e+00 : f32
      %mul3A_422 = arith.mulf %mul3A_421, %reduce_sum3A_420 : f32
      %add3A_423 = arith.addf %get3A_414, %mul3A_422 : f32
      %swap3A_424 = arith.constant 6 : index
      %swap3A_425 = memref.load %arg6[%swap3A_424] : memref<8xf32, #tpu.memory_space<smem>>
      memref.store %add3A_423, %arg6[%swap3A_424] : memref<8xf32, #tpu.memory_space<smem>>
    } else {
    }
    %gt3A_298 = arith.constant 5.120000e+02 : f32
    %gt3A_299 = arith.cmpf ogt, %reduce_sum3A_33, %gt3A_298 : f32
    %convert_element_type3A_300 = arith.extui %gt3A_299 : i1 to i32
    %cond3A_301 = arith.constant 0 : i32
    %cond3A_302 = arith.cmpi ne, %convert_element_type3A_300, %cond3A_301 : i32
    scf.if %cond3A_302 {
      %slice3A_392 = vector.extract_strided_slice %get3A_249 {offsets = [512, 0], sizes = [256, 32], strides = [1, 1]} : vector<1024x32xf32> to vector<256x32xf32>
      %slice3A_393 = vector.extract_strided_slice %dot_general3A_257 {offsets = [0, 512], sizes = [1, 256], strides = [1, 1]} : vector<1x1024xf32> to vector<1x256xf32>
      %dot_general3A_394 = arith.constant dense<0.000000e+00> : vector<256x256xf32>
      %dot_general3A_395 = tpu.matmul %slice3A_290, %slice3A_392, %dot_general3A_394 {dimension_numbers = #tpu.dot_dimension_numbers<[1], [1], [0], [0], [0, 0, 1, 0], [], []>, transpose_lhs_hint = false} : vector<256x32xf32>, vector<256x32xf32>, vector<256x256xf32> -> vector<256x256xf32>
      %add3A_396 = vector.broadcast %slice3A_291 : vector<256x1xf32> to vector<256x256xf32>
      %add3A_397 = vector.broadcast %slice3A_393 : vector<1x256xf32> to vector<256x256xf32>
      %add3A_398 = arith.addf %add3A_396, %add3A_397 : vector<256x256xf32>
      %mul3A_399 = arith.constant 2.000000e+00 : f32
      %mul3A_400 = vector.broadcast %mul3A_399 : f32 to vector<256x256xf32>
      %mul3A_401 = arith.mulf %mul3A_400, %dot_general3A_395 : vector<256x256xf32>
      %sub3A_402 = arith.subf %add3A_398, %mul3A_401 : vector<256x256xf32>
      %max3A_403 = arith.constant 0.000000e+00 : f32
      %max3A_404 = vector.broadcast %max3A_403 : f32 to vector<256x256xf32>
      %max3A_405 = arith.maximumf %sub3A_402, %max3A_404 : vector<256x256xf32>
      %neg3A_406 = arith.constant 0.000000e+00 : f32
      %neg3A_407 = vector.broadcast %neg3A_406 : f32 to vector<256x256xf32>
      %neg3A_408 = arith.subf %neg3A_407, %max3A_405 : vector<256x256xf32>
      %exp3A_409 = math.exp %neg3A_408 : vector<256x256xf32>
      %slice3A_410 = vector.extract_strided_slice %select_n3A_265 {offsets = [0, 512], sizes = [1, 256], strides = [1, 1]} : vector<1x1024xf32> to vector<1x256xf32>
      %dot_general3A_411 = arith.constant dense<0.000000e+00> : vector<1x256xf32>
      %dot_general3A_412 = tpu.matmul %slice3A_292, %exp3A_409, %dot_general3A_411 {dimension_numbers = #tpu.dot_dimension_numbers<[1], [0], [0], [1], [0, 0, 1, 1], [], []>, transpose_lhs_hint = false} : vector<1x256xf32>, vector<256x256xf32>, vector<1x256xf32> -> vector<1x256xf32>
      %get3A_413 = arith.constant 6 : index
      %get3A_414 = memref.load %arg6[%get3A_413] : memref<8xf32, #tpu.memory_space<smem>>
      %mul3A_415 = arith.mulf %dot_general3A_412, %slice3A_410 : vector<1x256xf32>
      %reduce_sum3A_416 = vector.shape_cast %mul3A_415 : vector<1x256xf32> to vector<1x1x256xf32>
      %reduce_sum3A_417 = arith.constant dense<0.000000e+00> : vector<1xf32>
      %reduce_sum3A_418 = vector.multi_reduction <add>, %reduce_sum3A_416, %reduce_sum3A_417 [1, 2] : vector<1x1x256xf32> to vector<1xf32>
      %reduce_sum3A_419 = vector.shape_cast %reduce_sum3A_418 : vector<1xf32> to vector<1x1x1xf32>
      %reduce_sum3A_420 = vector.extract %reduce_sum3A_419[0, 0, 0] : f32 from vector<1x1x1xf32>
      %mul3A_421 = arith.constant 2.000000e+00 : f32
      %mul3A_422 = arith.mulf %mul3A_421, %reduce_sum3A_420 : f32
      %add3A_423 = arith.addf %get3A_414, %mul3A_422 : f32
      %swap3A_424 = arith.constant 6 : index
      %swap3A_425 = memref.load %arg6[%swap3A_424] : memref<8xf32, #tpu.memory_space<smem>>
      memref.store %add3A_423, %arg6[%swap3A_424] : memref<8xf32, #tpu.memory_space<smem>>
    } else {
    }
    %gt3A_303 = arith.constant 7.680000e+02 : f32
    %gt3A_304 = arith.cmpf ogt, %reduce_sum3A_33, %gt3A_303 : f32
    %convert_element_type3A_305 = arith.extui %gt3A_304 : i1 to i32
    %cond3A_306 = arith.constant 0 : i32
    %cond3A_307 = arith.cmpi ne, %convert_element_type3A_305, %cond3A_306 : i32
    scf.if %cond3A_307 {
      %slice3A_392 = vector.extract_strided_slice %get3A_249 {offsets = [768, 0], sizes = [256, 32], strides = [1, 1]} : vector<1024x32xf32> to vector<256x32xf32>
      %slice3A_393 = vector.extract_strided_slice %dot_general3A_257 {offsets = [0, 768], sizes = [1, 256], strides = [1, 1]} : vector<1x1024xf32> to vector<1x256xf32>
      %dot_general3A_394 = arith.constant dense<0.000000e+00> : vector<256x256xf32>
      %dot_general3A_395 = tpu.matmul %slice3A_290, %slice3A_392, %dot_general3A_394 {dimension_numbers = #tpu.dot_dimension_numbers<[1], [1], [0], [0], [0, 0, 1, 0], [], []>, transpose_lhs_hint = false} : vector<256x32xf32>, vector<256x32xf32>, vector<256x256xf32> -> vector<256x256xf32>
      %add3A_396 = vector.broadcast %slice3A_291 : vector<256x1xf32> to vector<256x256xf32>
      %add3A_397 = vector.broadcast %slice3A_393 : vector<1x256xf32> to vector<256x256xf32>
      %add3A_398 = arith.addf %add3A_396, %add3A_397 : vector<256x256xf32>
      %mul3A_399 = arith.constant 2.000000e+00 : f32
      %mul3A_400 = vector.broadcast %mul3A_399 : f32 to vector<256x256xf32>
      %mul3A_401 = arith.mulf %mul3A_400, %dot_general3A_395 : vector<256x256xf32>
      %sub3A_402 = arith.subf %add3A_398, %mul3A_401 : vector<256x256xf32>
      %max3A_403 = arith.constant 0.000000e+00 : f32
      %max3A_404 = vector.broadcast %max3A_403 : f32 to vector<256x256xf32>
      %max3A_405 = arith.maximumf %sub3A_402, %max3A_404 : vector<256x256xf32>
      %neg3A_406 = arith.constant 0.000000e+00 : f32
      %neg3A_407 = vector.broadcast %neg3A_406 : f32 to vector<256x256xf32>
      %neg3A_408 = arith.subf %neg3A_407, %max3A_405 : vector<256x256xf32>
      %exp3A_409 = math.exp %neg3A_408 : vector<256x256xf32>
      %slice3A_410 = vector.extract_strided_slice %select_n3A_265 {offsets = [0, 768], sizes = [1, 256], strides = [1, 1]} : vector<1x1024xf32> to vector<1x256xf32>
      %dot_general3A_411 = arith.constant dense<0.000000e+00> : vector<1x256xf32>
      %dot_general3A_412 = tpu.matmul %slice3A_292, %exp3A_409, %dot_general3A_411 {dimension_numbers = #tpu.dot_dimension_numbers<[1], [0], [0], [1], [0, 0, 1, 1], [], []>, transpose_lhs_hint = false} : vector<1x256xf32>, vector<256x256xf32>, vector<1x256xf32> -> vector<1x256xf32>
      %get3A_413 = arith.constant 6 : index
      %get3A_414 = memref.load %arg6[%get3A_413] : memref<8xf32, #tpu.memory_space<smem>>
      %mul3A_415 = arith.mulf %dot_general3A_412, %slice3A_410 : vector<1x256xf32>
      %reduce_sum3A_416 = vector.shape_cast %mul3A_415 : vector<1x256xf32> to vector<1x1x256xf32>
      %reduce_sum3A_417 = arith.constant dense<0.000000e+00> : vector<1xf32>
      %reduce_sum3A_418 = vector.multi_reduction <add>, %reduce_sum3A_416, %reduce_sum3A_417 [1, 2] : vector<1x1x256xf32> to vector<1xf32>
      %reduce_sum3A_419 = vector.shape_cast %reduce_sum3A_418 : vector<1xf32> to vector<1x1x1xf32>
      %reduce_sum3A_420 = vector.extract %reduce_sum3A_419[0, 0, 0] : f32 from vector<1x1x1xf32>
      %mul3A_421 = arith.constant 2.000000e+00 : f32
      %mul3A_422 = arith.mulf %mul3A_421, %reduce_sum3A_420 : f32
      %add3A_423 = arith.addf %get3A_414, %mul3A_422 : f32
      %swap3A_424 = arith.constant 6 : index
      %swap3A_425 = memref.load %arg6[%swap3A_424] : memref<8xf32, #tpu.memory_space<smem>>
      memref.store %add3A_423, %arg6[%swap3A_424] : memref<8xf32, #tpu.memory_space<smem>>
    } else {
    }
    %slice3A_308 = vector.extract_strided_slice %get3A_249 {offsets = [512, 0], sizes = [256, 32], strides = [1, 1]} : vector<1024x32xf32> to vector<256x32xf32>
    %slice3A_309 = vector.extract_strided_slice %broadcast_in_dim3A_253 {offsets = [512, 0], sizes = [256, 1], strides = [1, 1]} : vector<1024x1xf32> to vector<256x1xf32>
    %slice3A_310 = vector.extract_strided_slice %select_n3A_265 {offsets = [0, 512], sizes = [1, 256], strides = [1, 1]} : vector<1x1024xf32> to vector<1x256xf32>
    %gt3A_311 = arith.constant 5.120000e+02 : f32
    %gt3A_312 = arith.cmpf ogt, %reduce_sum3A_33, %gt3A_311 : f32
    %convert_element_type3A_313 = arith.extui %gt3A_312 : i1 to i32
    %cond3A_314 = arith.constant 0 : i32
    %cond3A_315 = arith.cmpi ne, %convert_element_type3A_313, %cond3A_314 : i32
    scf.if %cond3A_315 {
      %slice3A_392 = vector.extract_strided_slice %get3A_249 {offsets = [512, 0], sizes = [256, 32], strides = [1, 1]} : vector<1024x32xf32> to vector<256x32xf32>
      %slice3A_393 = vector.extract_strided_slice %dot_general3A_257 {offsets = [0, 512], sizes = [1, 256], strides = [1, 1]} : vector<1x1024xf32> to vector<1x256xf32>
      %dot_general3A_394 = arith.constant dense<0.000000e+00> : vector<256x256xf32>
      %dot_general3A_395 = tpu.matmul %slice3A_308, %slice3A_392, %dot_general3A_394 {dimension_numbers = #tpu.dot_dimension_numbers<[1], [1], [0], [0], [0, 0, 1, 0], [], []>, transpose_lhs_hint = false} : vector<256x32xf32>, vector<256x32xf32>, vector<256x256xf32> -> vector<256x256xf32>
      %add3A_396 = vector.broadcast %slice3A_309 : vector<256x1xf32> to vector<256x256xf32>
      %add3A_397 = vector.broadcast %slice3A_393 : vector<1x256xf32> to vector<256x256xf32>
      %add3A_398 = arith.addf %add3A_396, %add3A_397 : vector<256x256xf32>
      %mul3A_399 = arith.constant 2.000000e+00 : f32
      %mul3A_400 = vector.broadcast %mul3A_399 : f32 to vector<256x256xf32>
      %mul3A_401 = arith.mulf %mul3A_400, %dot_general3A_395 : vector<256x256xf32>
      %sub3A_402 = arith.subf %add3A_398, %mul3A_401 : vector<256x256xf32>
      %max3A_403 = arith.constant 0.000000e+00 : f32
      %max3A_404 = vector.broadcast %max3A_403 : f32 to vector<256x256xf32>
      %max3A_405 = arith.maximumf %sub3A_402, %max3A_404 : vector<256x256xf32>
      %neg3A_406 = arith.constant 0.000000e+00 : f32
      %neg3A_407 = vector.broadcast %neg3A_406 : f32 to vector<256x256xf32>
      %neg3A_408 = arith.subf %neg3A_407, %max3A_405 : vector<256x256xf32>
      %exp3A_409 = math.exp %neg3A_408 : vector<256x256xf32>
      %slice3A_410 = vector.extract_strided_slice %select_n3A_265 {offsets = [0, 512], sizes = [1, 256], strides = [1, 1]} : vector<1x1024xf32> to vector<1x256xf32>
      %dot_general3A_411 = arith.constant dense<0.000000e+00> : vector<1x256xf32>
      %dot_general3A_412 = tpu.matmul %slice3A_310, %exp3A_409, %dot_general3A_411 {dimension_numbers = #tpu.dot_dimension_numbers<[1], [0], [0], [1], [0, 0, 1, 1], [], []>, transpose_lhs_hint = false} : vector<1x256xf32>, vector<256x256xf32>, vector<1x256xf32> -> vector<1x256xf32>
      %get3A_413 = arith.constant 6 : index
      %get3A_414 = memref.load %arg6[%get3A_413] : memref<8xf32, #tpu.memory_space<smem>>
      %mul3A_415 = arith.mulf %dot_general3A_412, %slice3A_410 : vector<1x256xf32>
      %reduce_sum3A_416 = vector.shape_cast %mul3A_415 : vector<1x256xf32> to vector<1x1x256xf32>
      %reduce_sum3A_417 = arith.constant dense<0.000000e+00> : vector<1xf32>
      %reduce_sum3A_418 = vector.multi_reduction <add>, %reduce_sum3A_416, %reduce_sum3A_417 [1, 2] : vector<1x1x256xf32> to vector<1xf32>
      %reduce_sum3A_419 = vector.shape_cast %reduce_sum3A_418 : vector<1xf32> to vector<1x1x1xf32>
      %reduce_sum3A_420 = vector.extract %reduce_sum3A_419[0, 0, 0] : f32 from vector<1x1x1xf32>
      %mul3A_421 = arith.constant 1.000000e+00 : f32
      %mul3A_422 = arith.mulf %mul3A_421, %reduce_sum3A_420 : f32
      %add3A_423 = arith.addf %get3A_414, %mul3A_422 : f32
      %swap3A_424 = arith.constant 6 : index
      %swap3A_425 = memref.load %arg6[%swap3A_424] : memref<8xf32, #tpu.memory_space<smem>>
      memref.store %add3A_423, %arg6[%swap3A_424] : memref<8xf32, #tpu.memory_space<smem>>
    } else {
    }
    %gt3A_316 = arith.constant 7.680000e+02 : f32
    %gt3A_317 = arith.cmpf ogt, %reduce_sum3A_33, %gt3A_316 : f32
    %convert_element_type3A_318 = arith.extui %gt3A_317 : i1 to i32
    %cond3A_319 = arith.constant 0 : i32
    %cond3A_320 = arith.cmpi ne, %convert_element_type3A_318, %cond3A_319 : i32
    scf.if %cond3A_320 {
      %slice3A_392 = vector.extract_strided_slice %get3A_249 {offsets = [768, 0], sizes = [256, 32], strides = [1, 1]} : vector<1024x32xf32> to vector<256x32xf32>
      %slice3A_393 = vector.extract_strided_slice %dot_general3A_257 {offsets = [0, 768], sizes = [1, 256], strides = [1, 1]} : vector<1x1024xf32> to vector<1x256xf32>
      %dot_general3A_394 = arith.constant dense<0.000000e+00> : vector<256x256xf32>
      %dot_general3A_395 = tpu.matmul %slice3A_308, %slice3A_392, %dot_general3A_394 {dimension_numbers = #tpu.dot_dimension_numbers<[1], [1], [0], [0], [0, 0, 1, 0], [], []>, transpose_lhs_hint = false} : vector<256x32xf32>, vector<256x32xf32>, vector<256x256xf32> -> vector<256x256xf32>
      %add3A_396 = vector.broadcast %slice3A_309 : vector<256x1xf32> to vector<256x256xf32>
      %add3A_397 = vector.broadcast %slice3A_393 : vector<1x256xf32> to vector<256x256xf32>
      %add3A_398 = arith.addf %add3A_396, %add3A_397 : vector<256x256xf32>
      %mul3A_399 = arith.constant 2.000000e+00 : f32
      %mul3A_400 = vector.broadcast %mul3A_399 : f32 to vector<256x256xf32>
      %mul3A_401 = arith.mulf %mul3A_400, %dot_general3A_395 : vector<256x256xf32>
      %sub3A_402 = arith.subf %add3A_398, %mul3A_401 : vector<256x256xf32>
      %max3A_403 = arith.constant 0.000000e+00 : f32
      %max3A_404 = vector.broadcast %max3A_403 : f32 to vector<256x256xf32>
      %max3A_405 = arith.maximumf %sub3A_402, %max3A_404 : vector<256x256xf32>
      %neg3A_406 = arith.constant 0.000000e+00 : f32
      %neg3A_407 = vector.broadcast %neg3A_406 : f32 to vector<256x256xf32>
      %neg3A_408 = arith.subf %neg3A_407, %max3A_405 : vector<256x256xf32>
      %exp3A_409 = math.exp %neg3A_408 : vector<256x256xf32>
      %slice3A_410 = vector.extract_strided_slice %select_n3A_265 {offsets = [0, 768], sizes = [1, 256], strides = [1, 1]} : vector<1x1024xf32> to vector<1x256xf32>
      %dot_general3A_411 = arith.constant dense<0.000000e+00> : vector<1x256xf32>
      %dot_general3A_412 = tpu.matmul %slice3A_310, %exp3A_409, %dot_general3A_411 {dimension_numbers = #tpu.dot_dimension_numbers<[1], [0], [0], [1], [0, 0, 1, 1], [], []>, transpose_lhs_hint = false} : vector<1x256xf32>, vector<256x256xf32>, vector<1x256xf32> -> vector<1x256xf32>
      %get3A_413 = arith.constant 6 : index
      %get3A_414 = memref.load %arg6[%get3A_413] : memref<8xf32, #tpu.memory_space<smem>>
      %mul3A_415 = arith.mulf %dot_general3A_412, %slice3A_410 : vector<1x256xf32>
      %reduce_sum3A_416 = vector.shape_cast %mul3A_415 : vector<1x256xf32> to vector<1x1x256xf32>
      %reduce_sum3A_417 = arith.constant dense<0.000000e+00> : vector<1xf32>
      %reduce_sum3A_418 = vector.multi_reduction <add>, %reduce_sum3A_416, %reduce_sum3A_417 [1, 2] : vector<1x1x256xf32> to vector<1xf32>
      %reduce_sum3A_419 = vector.shape_cast %reduce_sum3A_418 : vector<1xf32> to vector<1x1x1xf32>
      %reduce_sum3A_420 = vector.extract %reduce_sum3A_419[0, 0, 0] : f32 from vector<1x1x1xf32>
      %mul3A_421 = arith.constant 2.000000e+00 : f32
      %mul3A_422 = arith.mulf %mul3A_421, %reduce_sum3A_420 : f32
      %add3A_423 = arith.addf %get3A_414, %mul3A_422 : f32
      %swap3A_424 = arith.constant 6 : index
      %swap3A_425 = memref.load %arg6[%swap3A_424] : memref<8xf32, #tpu.memory_space<smem>>
      memref.store %add3A_423, %arg6[%swap3A_424] : memref<8xf32, #tpu.memory_space<smem>>
    } else {
    }
    %slice3A_321 = vector.extract_strided_slice %get3A_249 {offsets = [768, 0], sizes = [256, 32], strides = [1, 1]} : vector<1024x32xf32> to vector<256x32xf32>
    %slice3A_322 = vector.extract_strided_slice %broadcast_in_dim3A_253 {offsets = [768, 0], sizes = [256, 1], strides = [1, 1]} : vector<1024x1xf32> to vector<256x1xf32>
    %slice3A_323 = vector.extract_strided_slice %select_n3A_265 {offsets = [0, 768], sizes = [1, 256], strides = [1, 1]} : vector<1x1024xf32> to vector<1x256xf32>
    %gt3A_324 = arith.constant 7.680000e+02 : f32
    %gt3A_325 = arith.cmpf ogt, %reduce_sum3A_33, %gt3A_324 : f32
    %convert_element_type3A_326 = arith.extui %gt3A_325 : i1 to i32
    %cond3A_327 = arith.constant 0 : i32
    %cond3A_328 = arith.cmpi ne, %convert_element_type3A_326, %cond3A_327 : i32
    scf.if %cond3A_328 {
      %slice3A_392 = vector.extract_strided_slice %get3A_249 {offsets = [768, 0], sizes = [256, 32], strides = [1, 1]} : vector<1024x32xf32> to vector<256x32xf32>
      %slice3A_393 = vector.extract_strided_slice %dot_general3A_257 {offsets = [0, 768], sizes = [1, 256], strides = [1, 1]} : vector<1x1024xf32> to vector<1x256xf32>
      %dot_general3A_394 = arith.constant dense<0.000000e+00> : vector<256x256xf32>
      %dot_general3A_395 = tpu.matmul %slice3A_321, %slice3A_392, %dot_general3A_394 {dimension_numbers = #tpu.dot_dimension_numbers<[1], [1], [0], [0], [0, 0, 1, 0], [], []>, transpose_lhs_hint = false} : vector<256x32xf32>, vector<256x32xf32>, vector<256x256xf32> -> vector<256x256xf32>
      %add3A_396 = vector.broadcast %slice3A_322 : vector<256x1xf32> to vector<256x256xf32>
      %add3A_397 = vector.broadcast %slice3A_393 : vector<1x256xf32> to vector<256x256xf32>
      %add3A_398 = arith.addf %add3A_396, %add3A_397 : vector<256x256xf32>
      %mul3A_399 = arith.constant 2.000000e+00 : f32
      %mul3A_400 = vector.broadcast %mul3A_399 : f32 to vector<256x256xf32>
      %mul3A_401 = arith.mulf %mul3A_400, %dot_general3A_395 : vector<256x256xf32>
      %sub3A_402 = arith.subf %add3A_398, %mul3A_401 : vector<256x256xf32>
      %max3A_403 = arith.constant 0.000000e+00 : f32
      %max3A_404 = vector.broadcast %max3A_403 : f32 to vector<256x256xf32>
      %max3A_405 = arith.maximumf %sub3A_402, %max3A_404 : vector<256x256xf32>
      %neg3A_406 = arith.constant 0.000000e+00 : f32
      %neg3A_407 = vector.broadcast %neg3A_406 : f32 to vector<256x256xf32>
      %neg3A_408 = arith.subf %neg3A_407, %max3A_405 : vector<256x256xf32>
      %exp3A_409 = math.exp %neg3A_408 : vector<256x256xf32>
      %slice3A_410 = vector.extract_strided_slice %select_n3A_265 {offsets = [0, 768], sizes = [1, 256], strides = [1, 1]} : vector<1x1024xf32> to vector<1x256xf32>
      %dot_general3A_411 = arith.constant dense<0.000000e+00> : vector<1x256xf32>
      %dot_general3A_412 = tpu.matmul %slice3A_323, %exp3A_409, %dot_general3A_411 {dimension_numbers = #tpu.dot_dimension_numbers<[1], [0], [0], [1], [0, 0, 1, 1], [], []>, transpose_lhs_hint = false} : vector<1x256xf32>, vector<256x256xf32>, vector<1x256xf32> -> vector<1x256xf32>
      %get3A_413 = arith.constant 6 : index
      %get3A_414 = memref.load %arg6[%get3A_413] : memref<8xf32, #tpu.memory_space<smem>>
      %mul3A_415 = arith.mulf %dot_general3A_412, %slice3A_410 : vector<1x256xf32>
      %reduce_sum3A_416 = vector.shape_cast %mul3A_415 : vector<1x256xf32> to vector<1x1x256xf32>
      %reduce_sum3A_417 = arith.constant dense<0.000000e+00> : vector<1xf32>
      %reduce_sum3A_418 = vector.multi_reduction <add>, %reduce_sum3A_416, %reduce_sum3A_417 [1, 2] : vector<1x1x256xf32> to vector<1xf32>
      %reduce_sum3A_419 = vector.shape_cast %reduce_sum3A_418 : vector<1xf32> to vector<1x1x1xf32>
      %reduce_sum3A_420 = vector.extract %reduce_sum3A_419[0, 0, 0] : f32 from vector<1x1x1xf32>
      %mul3A_421 = arith.constant 1.000000e+00 : f32
      %mul3A_422 = arith.mulf %mul3A_421, %reduce_sum3A_420 : f32
      %add3A_423 = arith.addf %get3A_414, %mul3A_422 : f32
      %swap3A_424 = arith.constant 6 : index
      %swap3A_425 = memref.load %arg6[%swap3A_424] : memref<8xf32, #tpu.memory_space<smem>>
      memref.store %add3A_423, %arg6[%swap3A_424] : memref<8xf32, #tpu.memory_space<smem>>
    } else {
    }
    %get3A_329 = arith.constant 6 : index
    %get3A_330 = memref.load %arg6[%get3A_329] : memref<8xf32, #tpu.memory_space<smem>>
    %gt3A_331 = arith.constant 1.000000e+00 : f32
    %gt3A_332 = arith.cmpf ogt, %reduce_sum3A_33, %gt3A_331 : f32
    %mul3A_333 = arith.mulf %reduce_sum3A_33, %reduce_sum3A_33 : f32
    %jit3A_334 = arith.constant 1.000000e+00 : f32
    %select_n3A_335 = arith.select %gt3A_332, %mul3A_333, %jit3A_334 : f32
    %div3A_336 = arith.divf %get3A_330, %select_n3A_335 : f32
    %gt3A_337 = arith.constant 1.000000e+00 : f32
    %gt3A_338 = arith.cmpf ogt, %reduce_sum3A_33, %gt3A_337 : f32
    %mul3A_339 = arith.constant 1.000000e+00 : f32
    %mul3A_340 = arith.mulf %mul3A_339, %div3A_336 : f32
    %jit3A_341 = arith.constant 0.000000e+00 : f32
    %select_n3A_342 = arith.select %gt3A_338, %mul3A_340, %jit3A_341 : f32
    %add3A_343 = arith.addf %add3A_192, %mul3A_244 : f32
    %add3A_344 = arith.addf %add3A_343, %select_n3A_342 : f32
    %get3A_345 = arith.constant 0 : index
    %get3A_346 = memref.load %arg6[%get3A_345] : memref<8xf32, #tpu.memory_space<smem>>
    %mul3A_347 = arith.mulf %select_n3A, %add3A_344 : f32
    %add3A_348 = arith.addf %get3A_346, %mul3A_347 : f32
    %swap3A_349 = arith.constant 0 : index
    %swap3A_350 = memref.load %arg6[%swap3A_349] : memref<8xf32, #tpu.memory_space<smem>>
    memref.store %add3A_348, %arg6[%swap3A_349] : memref<8xf32, #tpu.memory_space<smem>>
    %get3A_351 = arith.constant 1 : index
    %get3A_352 = memref.load %arg6[%get3A_351] : memref<8xf32, #tpu.memory_space<smem>>
    %add3A_353 = arith.addf %get3A_352, %select_n3A : f32
    %swap3A_354 = arith.constant 1 : index
    %swap3A_355 = memref.load %arg6[%swap3A_354] : memref<8xf32, #tpu.memory_space<smem>>
    memref.store %add3A_353, %arg6[%swap3A_354] : memref<8xf32, #tpu.memory_space<smem>>
    %mul3A_356 = arith.mulf %select_n3A, %div3A_106 : f32
    %sub3A_357 = arith.constant 1.000000e+00 : f32
    %sub3A_358 = arith.subf %sub3A_357, %select_n3A : f32
    %get3A_359 = arith.constant 2 : index
    %get3A_360 = memref.load %arg6[%get3A_359] : memref<8xf32, #tpu.memory_space<smem>>
    %mul3A_361 = arith.mulf %sub3A_358, %get3A_360 : f32
    %add3A_362 = arith.addf %mul3A_356, %mul3A_361 : f32
    %swap3A_363 = arith.constant 2 : index
    %swap3A_364 = memref.load %arg6[%swap3A_363] : memref<8xf32, #tpu.memory_space<smem>>
    memref.store %add3A_362, %arg6[%swap3A_363] : memref<8xf32, #tpu.memory_space<smem>>
    %mul3A_365 = arith.mulf %select_n3A, %div3A_123 : f32
    %sub3A_366 = arith.constant 1.000000e+00 : f32
    %sub3A_367 = arith.subf %sub3A_366, %select_n3A : f32
    %get3A_368 = arith.constant 3 : index
    %get3A_369 = memref.load %arg6[%get3A_368] : memref<8xf32, #tpu.memory_space<smem>>
    %mul3A_370 = arith.mulf %sub3A_367, %get3A_369 : f32
    %add3A_371 = arith.addf %mul3A_365, %mul3A_370 : f32
    %swap3A_372 = arith.constant 3 : index
    %swap3A_373 = memref.load %arg6[%swap3A_372] : memref<8xf32, #tpu.memory_space<smem>>
    memref.store %add3A_371, %arg6[%swap3A_372] : memref<8xf32, #tpu.memory_space<smem>>
    %mul3A_374 = arith.mulf %select_n3A, %div3A_143 : f32
    %sub3A_375 = arith.constant 1.000000e+00 : f32
    %sub3A_376 = arith.subf %sub3A_375, %select_n3A : f32
    %get3A_377 = arith.constant 4 : index
    %get3A_378 = memref.load %arg6[%get3A_377] : memref<8xf32, #tpu.memory_space<smem>>
    %mul3A_379 = arith.mulf %sub3A_376, %get3A_378 : f32
    %add3A_380 = arith.addf %mul3A_374, %mul3A_379 : f32
    %swap3A_381 = arith.constant 4 : index
    %swap3A_382 = memref.load %arg6[%swap3A_381] : memref<8xf32, #tpu.memory_space<smem>>
    memref.store %add3A_380, %arg6[%swap3A_381] : memref<8xf32, #tpu.memory_space<smem>>
    %mul3A_383 = arith.mulf %select_n3A, %div3A_158 : f32
    %sub3A_384 = arith.constant 1.000000e+00 : f32
    %sub3A_385 = arith.subf %sub3A_384, %select_n3A : f32
    %get3A_386 = arith.constant 5 : index
    %get3A_387 = memref.load %arg6[%get3A_386] : memref<8xf32, #tpu.memory_space<smem>>
    %mul3A_388 = arith.mulf %sub3A_385, %get3A_387 : f32
    %add3A_389 = arith.addf %mul3A_383, %mul3A_388 : f32
    %swap3A_390 = arith.constant 5 : index
    %swap3A_391 = memref.load %arg6[%swap3A_390] : memref<8xf32, #tpu.memory_space<smem>>
    memref.store %add3A_389, %arg6[%swap3A_390] : memref<8xf32, #tpu.memory_space<smem>>
    return
  }
  func.func @transform_0(%arg0: i32) -> (i32, i32, i32) {
    %c0_i32 = arith.constant 0 : i32
    %c0_i32_0 = arith.constant 0 : i32
    %c0_i32_1 = arith.constant 0 : i32
    return %arg0, %c0_i32, %c0_i32_0 : i32, i32, i32
  }
  func.func @transform_1(%arg0: i32) -> (i32, i32, i32) {
    %c0_i32 = arith.constant 0 : i32
    %c0_i32_0 = arith.constant 0 : i32
    %c0_i32_1 = arith.constant 0 : i32
    return %arg0, %c0_i32, %c0_i32_0 : i32, i32, i32
  }
  func.func @transform_2(%arg0: i32) -> (i32, i32, i32) {
    %c0_i32 = arith.constant 0 : i32
    %c0_i32_0 = arith.constant 0 : i32
    %c0_i32_1 = arith.constant 0 : i32
    return %arg0, %c0_i32, %c0_i32_0 : i32, i32, i32
  }
  func.func @transform_3(%arg0: i32) -> (i32, i32, i32) {
    %c0_i32 = arith.constant 0 : i32
    %c0_i32_0 = arith.constant 0 : i32
    %c0_i32_1 = arith.constant 0 : i32
    return %arg0, %c0_i32, %c0_i32_0 : i32, i32, i32
  }
  func.func @transform_4(%arg0: i32) -> (i32, i32, i32) {
    %c0_i32 = arith.constant 0 : i32
    %c0_i32_0 = arith.constant 0 : i32
    %c0_i32_1 = arith.constant 0 : i32
    return %arg0, %c0_i32, %c0_i32_0 : i32, i32, i32
  }
  func.func @transform_5(%arg0: i32) -> i32 {
    %c0_i32 = arith.constant 0 : i32
    %c0_i32_0 = arith.constant 0 : i32
    return %c0_i32 : i32
  }
}

</mosaic_0001>

<sc_bundles>
// kernel: kernel.4.cloned.1.call-start
scs
__scs_entry_jumppad:
0x0: {  	(pc) =	sbr.rel $0x88, $3  }
0x1: {  	(tag) =	ssettag $0x0;
	lr =	simm.s32 $0x1  }
0x2: {  	[smem:$0x3F9D] =	sst lr;
	_ =	strace $0xD0000000  }
0x3: {  	_ = 	snop  }
0x4: {  	_ = 	snop  }
0x5: {  	_ = 	snop  }
0x6: {  	_ = 	snop  }
0x7: {  	_ = 	snop  }
__scs_overlays_trampoline_lowered:
0x8: {  	[smem:$0x3FAC] =	sst s0  }
0x9: {  	[smem:$0x3FAD] =	sst s1  }
0xa: {  	[smem:$0x3FAE] =	sst s2  }
0xb: {  	[smem:$0x3FAF] =	sst s3  }
0xc: {  	[smem:$0x3FB0] =	sst s4  }
0xd: {  	[smem:$0x3FB1] =	sst s5  }
0xe: {  	[smem:$0x3FB2] =	sst s6  }
0xf: {  	[smem:$0x3FB3] =	sst s7  }
0x10: {  	[smem:$0x3FB4] =	sst s8  }
0x11: {  	[smem:$0x3FB5] =	sst s9;
	s0 =	simm.s32 @!p0 $0x0  }
0x12: {  	s1 =	sld [smem:$0x3F9B];
	s0 =	simm.s32 @p0 $0x1  }
0x13: {  	[smem:$0x3FB6] =	sst s0;
	s0 =	simm.s32 @!p1 $0x0  }
0x14: {  	s2 =	sld [smem:$0x3F9A];
	s0 =	simm.s32 @p1 $0x1  }
0x15: {  	[smem:$0x3FB7] =	sst s0;
	s0 =	simm.s32 @!p2 $0x0  }
0x16: {  	s3 =	sld [smem:$0x3FDB];
	s0 =	simm.s32 @p2 $0x1  }
0x17: {  	s4 =	simm.s32 $0x1BF5;
	[smem:$0x3FB9] =	sst s0  }
0x18: {  	s0 =	sld [smem:$0x3F9C];
	_ =	swait.ge [sflag:s4], $0x0  }
0x19: {  	s7 =	sld [smem:$0x3F9D]  }
0x1a: {  	s8 =	sadd.s32 $0xFFFFE003, lr  }
0x1b: {  	s9 =	sadd.s32 $0xFFFFFEF7, lr;
	s5 =	simm.s32 $0xFFFFFFFF;
	p2 =	slt.u32 s8, $0xFFFFF086  }
0x1c: {  	p1 =	slt.u32 s9, $0xF7A;
	s5 =	simm.s32 @!p2 $0x0  }
0x1d: {  	s5 =	simm.s32 @p1 $0x1;
	p0 =	seq.s32 s7, s2  }
0x1e: {  	s7 =	smul.u32 @!p0 $0xF7A, s2;
	p2 =	seq.s32 @!p0 s5, $0x0  }
0x1f: {  	s9 =	smul.u32 $0xF7A, s1;
	s8 =	simm.s32 @!p0 $0x1BF5;
	p2 =	por !p2, p0  }
0x20: {  	[sflag:s8] =	ssyncset.s32 @!p0 $0xFFFFF086;
	s6 =	sadd.s32 @!p0 s3, s7;
	s7 =	simm.s32 @!p0 $0x108  }
0x21: {  	s3 =	sadd.s32 s3, s9;
	s6 =	sadd.s32 @!p0 $0x88, s6;
	s7 =	simm.s32 @p2 $0x1082  }
0x22: {  	[simem:s7], [sflag:s8] =	dma.local @!p0 [hbm:s6], $0xF7A  }
0x23: {  	s9 =	sor.u32 $0xD0000000, s2;
	s6 =	simm.s32 $0x108;
	_ =	swait.ge @!p0 [sflag:s8], $0x0  }
0x24: {  	s3 =	sadd.s32 $0x88, s3;
	s6 =	simm.s32 @!p1 $0x1082;
	[sflag:s4] =	ssyncset.s32 $0xFFFFF086  }
0x25: {  	[simem:s6], [sflag:s4] =	dma.local [hbm:s3], $0xF7A  }
0x26: {  	[smem:$0x3F9D] =	sst s1;
	(tag) =	ssettag s2;
	_ =	strace s9  }
0x27: {  	s1 =	sld [smem:$0x3FAD]  }
0x28: {  	s2 =	sld [smem:$0x3FAE]  }
0x29: {  	s4 =	sld [smem:$0x3FB0]  }
0x2a: {  	p0 =	seq.s32 s5, $0x0;
	s5 =	sld [smem:$0x3FB1]  }
0x2b: {  	s6 =	sld [smem:$0x3FB2]  }
0x2c: {  	s7 =	sld [smem:$0x3FB3]  }
0x2d: {  	s3 =	simm.s32 $0x108;
	s8 =	sld [smem:$0x3FB4]  }
0x2e: {  	s3 =	simm.s32 @!p0 $0x1082;
	s9 =	sld [smem:$0x3FB5]  }
0x2f: {  	lr =	sadd.s32 s0, s3;
	s0 =	sld [smem:$0x3FAC]  }
0x30: {  	s3 =	sld [smem:$0x3FAF]  }
0x31: {  	[smem:$0x3FB8] =	sst s10  }
0x32: {  	s10 =	sld [smem:$0x3FB6];
	_ =	sdelay $0x3  }
0x33: {  	p0 =	seq.s32 s10, $0x1;
	s10 =	sld [smem:$0x3FB8];
	_ =	sdelay $0x3  }
0x34: {  	[smem:$0x3FB8] =	sst s10  }
0x35: {  	s10 =	sld [smem:$0x3FB7];
	_ =	sdelay $0x3  }
0x36: {  	p1 =	seq.s32 s10, $0x1;
	s10 =	sld [smem:$0x3FB8];
	_ =	sdelay $0x3  }
0x37: {  	[smem:$0x3FB8] =	sst s10  }
0x38: {  	s10 =	sld [smem:$0x3FB9]  }
0x39: {  	_ = 	snop;
	(pc) =	sbr.ind lr, $3  }
0x3a: {  	_ = 	snop  }
0x3b: {  	_ = 	snop  }
0x3c: {  	p2 =	seq.s32 s10, $0x1;
	s10 =	sld [smem:$0x3FB8]  }
0x3d: {  	_ =	shalt  }
0x3e: {  	_ =	shalt  }
0x3f: {  	_ =	shalt  }
0x40: {  	_ =	shalt  }
0x41: {  	_ =	shalt  }
0x42: {  	_ =	shalt  }
0x43: {  	_ =	shalt  }
0x44: {  	_ =	shalt  }
0x45: {  	_ =	shalt  }
0x46: {  	_ =	shalt  }
0x47: {  	_ =	shalt  }
0x48: {  	_ =	shalt  }
0x49: {  	_ =	shalt  }
0x4a: {  	_ =	shalt  }
0x4b: {  	_ =	shalt  }
0x4c: {  	_ =	shalt  }
0x4d: {  	_ =	shalt  }
0x4e: {  	_ =	shalt  }
0x4f: {  	_ =	shalt  }
0x50: {  	_ =	shalt  }
0x51: {  	_ =	shalt  }
0x52: {  	_ =	shalt  }
0x53: {  	_ =	shalt  }
0x54: {  	_ =	shalt  }
0x55: {  	_ =	shalt  }
0x56: {  	_ =	shalt  }
0x57: {  	_ =	shalt  }
0x58: {  	_ =	shalt  }
0x59: {  	_ =	shalt  }
0x5a: {  	_ =	shalt  }
0x5b: {  	_ =	shalt  }
0x5c: {  	_ =	shalt  }
0x5d: {  	_ =	shalt  }
0x5e: {  	_ =	shalt  }
0x5f: {  	_ =	shalt  }
0x60: {  	_ =	shalt  }
0x61: {  	_ =	shalt  }
0x62: {  	_ =	shalt  }
0x63: {  	_ =	shalt  }
0x64: {  	_ =	shalt  }
0x65: {  	_ =	shalt  }
0x66: {  	_ =	shalt  }
0x67: {  	_ =	shalt  }
0x68: {  	_ =	shalt  }
0x69: {  	_ =	shalt  }
0x6a: {  	_ =	shalt  }
0x6b: {  	_ =	shalt  }
0x6c: {  	_ =	shalt  }
0x6d: {  	_ =	shalt  }
0x6e: {  	_ =	shalt  }
0x6f: {  	_ =	shalt  }
0x70: {  	_ =	shalt  }
0x71: {  	_ =	shalt  }
0x72: {  	_ =	shalt  }
0x73: {  	_ =	shalt  }
0x74: {  	_ =	shalt  }
0x75: {  	_ =	shalt  }
0x76: {  	_ =	shalt  }
0x77: {  	_ =	shalt  }
0x78: {  	_ =	shalt  }
0x79: {  	_ =	shalt  }
0x7a: {  	_ =	shalt  }
0x7b: {  	_ =	shalt  }
0x7c: {  	_ =	shalt  }
0x7d: {  	_ =	shalt  }
0x7e: {  	_ =	shalt  }
0x7f: {  	_ =	shalt  }
0x80: {  	_ =	shalt  }
0x81: {  	_ =	shalt  }
0x82: {  	_ =	shalt  }
0x83: {  	_ =	shalt  }
0x84: {  	_ =	shalt  }
0x85: {  	_ =	shalt  }
0x86: {  	_ =	shalt  }
0x87: {  	_ =	shalt  }
.Lfunc_end0:
.L_simem_size_0:
called_computation_lowered:
.L_overlay_start_0:
0x88: {  	s2 =	sld [smem:$0x3FD9]  }
0x89: {  	s3 =	sld [smem:$0x3FFE];
	_ =	sdelay $0x1  }
0x8a: {  	s1 =	srdreg.scid  }
0x8b: {  	s0 =	sand.u32 $0x1, s1  }
0x8c: {  	s16 =	sshll.u32 s0, $0xA;
	s2 =	sadd.s32 s3, s2  }
0x8d: {  	s2 =	sadd.s32 s2, s16  }
0x8e: {  	[smem:$0x3FC4] =	sst s2  }
0x8f: {  	_ = 	snop  }
0x90: {  	(tm) =	ssettm $0x1  }
0x91: {  	s17 =	sld [smem:$0x3FFB];
	_ =	sdelay $0x3  }
0x92: {  	_ =	strace s17  }
0x93: {  	s2 =	sld [smem:$0x3FFC];
	_ =	sdelay $0x3  }
0x94: {  	_ =	strace s2  }
0x95: {  	s2 =	sld [smem:$0x3FFD];
	_ =	sdelay $0x3  }
0x96: {  	_ =	strace s2  }
0x97: {  	_ =	strace $0x8FFFFFFF  }
0x98: {  	s18 =	sld [smem:$0x3FDB];
	_ =	sdelay $0x1  }
0x99: {  	s19 =	simm.s32 $_scs_section_size  }
0x9a: {  	s4 =	simm.s32 $_size__tile_overlayer_lowered;
	s5 =	simm.s32 $_tile_overlayer_lowered  }
0x9b: {  	s22 =	simm.s32 $0x1BFF;
	s21 =	sshll.u32 s5, $0x1;
	s2 =	sadd.s32 s19, s18  }
0x9c: {  	s6 =	simm.s32 $0x0;
	s20 =	sshll.u32 s4, $0x1;
	s4 =	sadd.s32 s21, s2  }
0x9d: {  	[timem:s6], [sflag:s22] =	dma.local [hbm:s4], s20  }
0x9e: {  	_ =	swait.ge [sflag:s22], s20  }
0x9f: {  	s3 =	ssub.s32 $0x0, s20;
	[sflag:s22] =	ssyncset.done $0x0  }
0xa0: {  	[sflag:s22] =	ssyncadd.s32 s3;
	_ =	sdelay $0x1  }
0xa1: {  	s23 =	simm.s32 $0x1B8B  }
0xa2: {  	_ =	swait.ge [sflag:s23], $0x1  }
0xa3: {  	[sflag:s23] =	ssyncset.done $0x0  }
0xa4: {  	s25 =	simm.s32 $0x1B8E;
	s24 =	sld [smem:$0x3FFE];
	[sflag:s23] =	ssyncadd.s32 $0xFFFFFFFF  }
0xa5: {  	s26 =	simm.s32 $execute0_lowered;
	[smem:$0x3FD2] =	sst s25  }
0xa6: {  	s4 =	sshll.u32 s26, $0x1;
	_ =	strace $0x80000046;
	[dreg:$0x1] =	wrdreg $0xFFFFFFFF  }
0xa7: {  	s28 =	simm.s32 $_size_execute0_lowered;
	s2 =	sadd.s32 s2, s4;
	[dreg:$0x0] =	wrdreg $0x0  }
0xa8: {  	s4 =	sshll.u32 s28, $0x1;
	[dreg:$0x2] =	wrdreg s2  }
0xa9: {  	[dreg:$0x3] =	wrdreg s4  }
0xaa: {  	[dreg:$0x4] =	wrdreg $0xC0  }
0xab: {  	_ =	task [dreg:s6], $0x5FFFF  }
0xac: {  	[dreg:$0x1] =	wrdreg $0xFFFFFFFF  }
0xad: {  	[dreg:$0x0] =	wrdreg $0x60  }
0xae: {  	[dreg:$0x2] =	wrdreg s24  }
0xaf: {  	[dreg:$0x3] =	wrdreg $0x9  }
0xb0: {  	_ =	task.clear_ibuf [dreg:s6], $0x4FFFF;
	_ =	strace $0x90000046  }
0xb1: {  	s29 =	simm.s32 $0x9;
	_ =	strace $0x80000048  }
0xb2: {  	_ =	swait.ge [sflag:s29], $0x1  }
0xb3: {  	[sflag:s29] =	ssyncadd.s32 $0xFFFFFFFF  }
0xb4: {  	_ =	strace $0x90000048  }
0xb5: {  	_ =	sfence  }
0xb6: {  	s30 =	sld [smem:$0x0];
	_ =	sdelay $0x2  }
0xb7: {  	s31 =	sshll.u32 s1, $0xD;
	s1 =	sshrl.u32 s1, $0x2  }
0xb8: {  	s3 =	sand.u32 $0x4000, s31;
	s1 =	sadd.s32 s1, s30  }
0xb9: {  	s0 =	sor.u32 s3, s0;
	s1 =	sshll.u32 s1, $0x11  }
0xba: {  	s0 =	sor.u32 s1, s0  }
0xbb: {  	s0 =	sadd.s32 $0x8F2B, s0  }
0xbc: {  	[sflag:s0] =	ssyncadd.remote.s32 $0x1  }
0xbd: {  	_ =	sfence.sel $0xFFFF  }
0xbe: {  	[dreg:$0x0] =	wrdreg $0xFFFFFFFF;
	(pc) =	sbr.abs _section_cstart, $3  }
0xbf: {  	[dreg:$0x1] =	wrdreg $0xFFFFFFFF  }
0xc0: {  	_ =	task.clear_ibuf [dreg:s6], $0x2FFFF;
	_ =	strace $0x9FFFFFFF  }
0xc1: {  	(tm) =	ssettm $0x7FFFFFFF  }
tec
execute0_lowered:
.L_overlay_start_1:
0x0: {  	(tag) =	ssettag $0x1  }
0x1: {  	s1 =	stileid.u32  }
0x2: {  	p0 =	sgt.u32 s1, $0x3  }
.Ltmp0:
0x3: {  	_ = 	snop;
	(pc) =	sbr.rel @p0 .LBB2_5-.Ltmp0, $4  }
0x4: {  	_ = 	snop  }
0x5: {  	s2 =	simm.s32 $0x0  }
0x6: {  	[smem:$0x7FF] =	sst s2  }
0x7: {  	s4 =	rddreg [dreg:$0x0];
	_ =	strace $0x80000047  }
0x8: {  	s0 =	srdreg.scid;
	s3 =	sshll.u32 s1, $0x1;
	s6 =	sadd.s32 $0x8E00, s4  }
0x9: {  	s31 =	sshll.u32 s1, $0xB;
	s9 =	simm.s32 $0x400;
	s10 =	simm.s32 $0x80  }
0xa: {  	s11 =	simm.s32 $0x800;
	s12 =	simm.s32 $0x480;
	s13 =	simm.s32 $0x1800  }
0xb: {  	s14 =	simm.s32 $0x500;
	s15 =	simm.s32 $0x2800;
	s16 =	simm.s32 $0x580  }
0xc: {  	s17 =	simm.s32 $0x3800;
	s18 =	simm.s32 $0x600;
	s19 =	simm.s32 $0x4800  }
0xd: {  	s20 =	simm.s32 $0x680;
	s21 =	simm.s32 $0x5800;
	s22 =	simm.s32 $0x700  }
0xe: {  	s23 =	simm.s32 $0x6800;
	s24 =	simm.s32 $0x780;
	s0 =	sand.u32 $0x1, s0  }
0xf: {  	s26 =	simm.s32 $0x1;
	s28 =	simm.s32 $0x0;
	s5 =	sor.u32 s0, s3  }
0x10: {  	s3 =	sadd.s32 $0xE00, s4;
	s30 =	ssub.s32 $0x2, s0;
	s0 =	sshll.u32 s0, $0xA  }
0x11: {  	s7 =	sshll.u32 s5, $0xC;
	s25 =	sshll.u32 s5, $0xA;
	s8 =	sshrl.u32 s30, $0x1  }
0x12: {  	s5 =	sshll.u32 s5, $0x7;
	s29 =	sadd.s32 s7, s4;
	s7 =	ssub.s32 s30, s8  }
0x13: {  	s5 =	sadd.s32 s6, s5;
	s8 =	simm.s32 $0x2;
	v0 =	vmov s25;
	s25 =	simm.s32 $0x7800  }
0x14: {  	v1 =	vimm.s32 $0x0;
	v2 =	vlaneseq.u32;
	s4 =	sadd.s32 $0x9200, s29;
	s6 =	smax.u32 s7, $0x1;
	s7 =	sor.u32 s0, s31  }
.LBB2_2:
0x15: {  	s29 =	simm.s32 $0x0  }
0x16: {  	[tilespmem:s29], [sflag:$0x2] =	stream.linear.gather [hbm4b:s5+s29], $0x400, $0x38;
	[tilespmem:$0x8800] =	vst v63  }
0x17: {  	_ =	swait.ge [sflag:s8], $0x400  }
0x18: {  	[sflag:s8] =	ssyncset.done $0x0  }
0x19: {  	[sflag:s8] =	ssyncadd.s32 $0xFFFFFC00  }
0x1a: {  	[tilespmem:$0x400] =	vst v0  }
0x1b: {  	[tilespmem:$0x410] =	vst v0  }
0x1c: {  	[tilespmem:$0x420] =	vst v0  }
0x1d: {  	[tilespmem:$0x430] =	vst v0  }
0x1e: {  	[tilespmem:$0x440] =	vst v0  }
0x1f: {  	[tilespmem:$0x450] =	vst v0  }
0x20: {  	[tilespmem:$0x460] =	vst v0  }
0x21: {  	[tilespmem:$0x470] =	vst v0  }
0x22: {  	[tilespmem:$0x480] =	vst v0  }
0x23: {  	[tilespmem:$0x490] =	vst v0  }
0x24: {  	[tilespmem:$0x4A0] =	vst v0  }
0x25: {  	[tilespmem:$0x4B0] =	vst v0  }
0x26: {  	[tilespmem:$0x4C0] =	vst v0  }
0x27: {  	[tilespmem:$0x4D0] =	vst v0  }
0x28: {  	[tilespmem:$0x4E0] =	vst v0  }
0x29: {  	[tilespmem:$0x4F0] =	vst v0  }
0x2a: {  	[tilespmem:$0x500] =	vst v0  }
0x2b: {  	[tilespmem:$0x510] =	vst v0  }
0x2c: {  	[tilespmem:$0x520] =	vst v0  }
0x2d: {  	[tilespmem:$0x530] =	vst v0  }
0x2e: {  	[tilespmem:$0x540] =	vst v0  }
0x2f: {  	[tilespmem:$0x550] =	vst v0  }
0x30: {  	[tilespmem:$0x560] =	vst v0  }
0x31: {  	[tilespmem:$0x570] =	vst v0  }
0x32: {  	[tilespmem:$0x580] =	vst v0  }
0x33: {  	[tilespmem:$0x590] =	vst v0  }
0x34: {  	[tilespmem:$0x5A0] =	vst v0  }
0x35: {  	[tilespmem:$0x5B0] =	vst v0  }
0x36: {  	[tilespmem:$0x5C0] =	vst v0  }
0x37: {  	[tilespmem:$0x5D0] =	vst v0  }
0x38: {  	[tilespmem:$0x5E0] =	vst v0  }
0x39: {  	[tilespmem:$0x5F0] =	vst v0  }
0x3a: {  	[tilespmem:$0x600] =	vst v0  }
0x3b: {  	[tilespmem:$0x610] =	vst v0  }
0x3c: {  	[tilespmem:$0x620] =	vst v0  }
0x3d: {  	[tilespmem:$0x630] =	vst v0  }
0x3e: {  	[tilespmem:$0x640] =	vst v0  }
0x3f: {  	[tilespmem:$0x650] =	vst v0  }
0x40: {  	[tilespmem:$0x660] =	vst v0  }
0x41: {  	[tilespmem:$0x670] =	vst v0  }
0x42: {  	[tilespmem:$0x680] =	vst v0  }
0x43: {  	[tilespmem:$0x690] =	vst v0  }
0x44: {  	[tilespmem:$0x6A0] =	vst v0  }
0x45: {  	[tilespmem:$0x6B0] =	vst v0  }
0x46: {  	[tilespmem:$0x6C0] =	vst v0  }
0x47: {  	[tilespmem:$0x6D0] =	vst v0  }
0x48: {  	[tilespmem:$0x6E0] =	vst v0  }
0x49: {  	[tilespmem:$0x6F0] =	vst v0  }
0x4a: {  	[tilespmem:$0x700] =	vst v0  }
0x4b: {  	[tilespmem:$0x710] =	vst v0  }
0x4c: {  	[tilespmem:$0x720] =	vst v0  }
0x4d: {  	[tilespmem:$0x730] =	vst v0  }
0x4e: {  	[tilespmem:$0x740] =	vst v0  }
0x4f: {  	[tilespmem:$0x750] =	vst v0  }
0x50: {  	[tilespmem:$0x760] =	vst v0  }
0x51: {  	[tilespmem:$0x770] =	vst v0  }
0x52: {  	[tilespmem:$0x780] =	vst v0  }
0x53: {  	[tilespmem:$0x790] =	vst v0  }
0x54: {  	[tilespmem:$0x7A0] =	vst v0  }
0x55: {  	[tilespmem:$0x7B0] =	vst v0  }
0x56: {  	[tilespmem:$0x7C0] =	vst v0  }
0x57: {  	[tilespmem:$0x7D0] =	vst v0  }
0x58: {  	[tilespmem:$0x7E0] =	vst v0  }
0x59: {  	s0 =	simm.s32 $0x0;
	[tilespmem:$0x7F0] =	vst v0  }
0x5a: {  	v3 =	vld [tilespmem:s0+$0x0];
	_ =	sdelay $0x4  }
0x5b: {  	vm0 =	vgt.s32 v3, $0x0  }
0x5c: {  	v3 =	vsel vm0, $0x1, v1  }
0x5d: {  	(xrf0) =	vadd.scan.msk.s32 $0xffff, v3;
	_ =	sdelay $0x5  }
0x5e: {  	v3, _, _ =	vpop (xrf0)  }
0x5f: {  	v5 =	vxor.u32 $0x80000000, v3  }
0x60: {  	v4 =	vmov s29;
	(xrf0) =	vmax.scan.msk.u32 $0xffff, v5  }
0x61: {  	v4 =	vadd.s32 $0xFFFFFFFF, v4  }
0x62: {  	v4 =	vbroadcast v4, $0x0;
	_ =	sdelay $0x1  }
0x63: {  	v3 =	vadd.s32 v3, v4;
	_ =	sdelay $0x1  }
0x64: {  	v62, _, _ =	vpop (xrf0)  }
0x65: {  	(v2sf) =	vpush v62, $0xF  }
0x66: {  	v63 =	vor.u32 s7, v2  }
0x67: {  	s31 =	simm.s32 $0x80;
	s30 =	smov.u32 s7;
	s0 =	simm.s32 $0x10;
	[tilespmem:v3+s9+$0x0] =	vst.idx.msk vm0, v63  }
.LBB2_3:
0x68: {  	p0 =	sne.s32 s31, $0xFC0;
	v3 =	vld [tilespmem:s0+$0x0];
	_ =	sdelay $0x4  }
0x69: {  	vm0 =	vgt.s32 v3, $0x0  }
0x6a: {  	v3 =	vsel vm0, $0x1, v1  }
0x6b: {  	(xrf0) =	vadd.scan.msk.s32 $0xffff, v3;
	_ =	sdelay $0x4  }
0x6c: {  	s0 =	spop (v2sf)  }
0x6d: {  	v3, _, _ =	vpop (xrf0);
	s0 =	sadd.s32 s0, s29  }
0x6e: {  	v4 =	vxor.u32 $0x80000000, v3;
	s29 =	sadd.s32 $0x80000000, s0  }
0x6f: {  	v5 =	vmov s29;
	(xrf0) =	vmax.scan.msk.u32 $0xffff, v4  }
0x70: {  	v4 =	vadd.s32 $0xFFFFFFFF, v5  }
0x71: {  	v4 =	vbroadcast v4, $0x0;
	_ =	sdelay $0x1  }
0x72: {  	v3 =	vadd.s32 v3, v4  }
.Ltmp1:
0x73: {  	(pc) =	sbr.rel @p0 .LBB2_3-.Ltmp1, $4  }
0x74: {  	v4, _, _ =	vpop (xrf0)  }
0x75: {  	s30 =	sadd.s32 $0x10, s30;
	(v2sf) =	vpush v4, $0xF  }
0x76: {  	v4 =	vor.u32 s30, v2  }
0x77: {  	s0 =	sshra.s32 s31, $0x2;
	s31 =	sadd.s32 $0x40, s31;
	[tilespmem:v3+s9+$0x0] =	vst.idx.msk vm0, v4  }
0x78: {  	_ = 	snop  }
0x79: {  	v3 =	vld [tilespmem:s0+$0x0];
	_ =	sdelay $0x4  }
0x7a: {  	vm0 =	vgt.s32 v3, $0x0  }
0x7b: {  	v3 =	vsel vm0, $0x1, v1  }
0x7c: {  	(xrf0) =	vadd.scan.msk.s32 $0xffff, v3;
	_ =	sdelay $0x3  }
0x7d: {  	s31 =	spop (v2sf)  }
0x7e: {  	s0 =	sadd.s32 s31, s29  }
0x7f: {  	v3, _, _ =	vpop (xrf0);
	s0 =	sadd.s32 $0x80000000, s0  }
0x80: {  	v5 =	vxor.u32 $0x80000000, v3;
	v4 =	vmov s0  }
0x81: {  	(xrf0) =	vmax.scan.msk.u32 $0xffff, v5;
	v4 =	vadd.s32 $0xFFFFFFFF, v4  }
0x82: {  	v4 =	vbroadcast v4, $0x0;
	_ =	sdelay $0x1  }
0x83: {  	v3 =	vadd.s32 v3, v4;
	_ =	sdelay $0x2  }
0x84: {  	s30 =	sadd.s32 $0x10, s30;
	v62, _, _ =	vpop (xrf0)  }
0x85: {  	v63 =	vor.u32 s30, v2;
	(v2sf) =	vpush v62, $0xF  }
0x86: {  	[tilespmem:v3+s9+$0x0] =	vst.idx.msk vm0, v63  }
0x87: {  	[tilespmem:s11], [sflag:$0x1] =	stream.indirect.gather [hbm4b:s3+s10], $0x20, s9, s10, $0xb8;
	[tilespmem:$0x8800] =	vst v63  }
0x88: {  	_ = 	snop  }
0x89: {  	[tilespmem:s13], [sflag:$0x1] =	stream.indirect.gather [hbm4b:s3+s10], $0x20, s12, s10, $0xb8;
	[tilespmem:$0x8800] =	vst v63  }
0x8a: {  	_ = 	snop  }
0x8b: {  	[tilespmem:s15], [sflag:$0x1] =	stream.indirect.gather [hbm4b:s3+s10], $0x20, s14, s10, $0xb8;
	[tilespmem:$0x8800] =	vst v63  }
0x8c: {  	_ = 	snop  }
0x8d: {  	[tilespmem:s17], [sflag:$0x1] =	stream.indirect.gather [hbm4b:s3+s10], $0x20, s16, s10, $0xb8;
	[tilespmem:$0x8800] =	vst v63  }
0x8e: {  	_ = 	snop  }
0x8f: {  	[tilespmem:s19], [sflag:$0x1] =	stream.indirect.gather [hbm4b:s3+s10], $0x20, s18, s10, $0xb8;
	[tilespmem:$0x8800] =	vst v63  }
0x90: {  	_ = 	snop  }
0x91: {  	[tilespmem:s21], [sflag:$0x1] =	stream.indirect.gather [hbm4b:s3+s10], $0x20, s20, s10, $0xb8;
	[tilespmem:$0x8800] =	vst v63  }
0x92: {  	_ = 	snop  }
0x93: {  	[tilespmem:s23], [sflag:$0x1] =	stream.indirect.gather [hbm4b:s3+s10], $0x20, s22, s10, $0xb8;
	[tilespmem:$0x8800] =	vst v63  }
0x94: {  	s31 =	spop (v2sf)  }
0x95: {  	[tilespmem:s25], [sflag:$0x1] =	stream.indirect.gather [hbm4b:s3+s10], $0x20, s24, s10, $0xb8;
	[tilespmem:$0x8800] =	vst v63  }
0x96: {  	_ =	swait.ge [sflag:s26], $0x1000  }
0x97: {  	[sflag:s26] =	ssyncset.done $0x0  }
0x98: {  	[sflag:s26] =	ssyncadd.s32 $0xFFFFF000  }
0x99: {  	_ =	swait.ge [sflag:s26], $0x1000  }
0x9a: {  	[sflag:s26] =	ssyncset.done $0x0  }
0x9b: {  	[sflag:s26] =	ssyncadd.s32 $0xFFFFF000  }
0x9c: {  	_ =	swait.ge [sflag:s26], $0x1000  }
0x9d: {  	[sflag:s26] =	ssyncset.done $0x0  }
0x9e: {  	[sflag:s26] =	ssyncadd.s32 $0xFFFFF000  }
0x9f: {  	_ =	swait.ge [sflag:s26], $0x1000  }
0xa0: {  	[sflag:s26] =	ssyncset.done $0x0  }
0xa1: {  	[sflag:s26] =	ssyncadd.s32 $0xFFFFF000  }
0xa2: {  	_ =	swait.ge [sflag:s26], $0x1000  }
0xa3: {  	[sflag:s26] =	ssyncset.done $0x0  }
0xa4: {  	[sflag:s26] =	ssyncadd.s32 $0xFFFFF000  }
0xa5: {  	_ =	swait.ge [sflag:s26], $0x1000  }
0xa6: {  	[sflag:s26] =	ssyncset.done $0x0  }
0xa7: {  	[sflag:s26] =	ssyncadd.s32 $0xFFFFF000  }
0xa8: {  	_ =	swait.ge [sflag:s26], $0x1000  }
0xa9: {  	[sflag:s26] =	ssyncset.done $0x0  }
0xaa: {  	[sflag:s26] =	ssyncadd.s32 $0xFFFFF000  }
0xab: {  	s28 =	sadd.s32 $0x1, s28;
	_ =	swait.ge [sflag:s26], $0x1000  }
0xac: {  	p0 =	sne.s32 s28, s6;
	[sflag:s26] =	ssyncset.done $0x0  }
.Ltmp2:
0xad: {  	[sflag:s26] =	ssyncadd.s32 $0xFFFFF000;
	(pc) =	sbr.rel @p0 .LBB2_2-.Ltmp2, $4  }
0xae: {  	[hbm4b:s4+s2] =	stream.linear.scatter [tilespmem:s11], [sflag:$0x2], $0x8000, $0x38;
	[tilespmem:$0x8800] =	vst v63  }
0xaf: {  	_ =	swait.ge [sflag:s8], $0x8000  }
0xb0: {  	[sflag:s8] =	ssyncset.done $0x0  }
0xb1: {  	[sflag:s8] =	ssyncadd.s32 $0xFFFF8000  }
.LBB2_5:
0xb2: {  	_ =	sfence.sel $0x180000  }
0xb3: {  	[bflag:$0x0] =	sbarrier.arrive $0xFFFF  }
0xb4: {  	_ =	strace $0x90000047  }
0xb5: {  	[bflag:$0x2] =	sbarrier.arrive $0xFFFF  }
0xb6: {  	p0 =	sne.s32 s1, $0x0;
	s0 =	rddreg [dreg:$0x1]  }
0xb7: {  	s0 =	sadd.s32 @!p0 $0x100000, s0  }
0xb8: {  	[sflag:s0] =	ssyncadd.tile.s32 @!p0 $0x1;
	_ =	shalt  }
.Lfunc_end2:
_tile_overlayer_lowered:
.L_overlay_start_2:
0xb9: {  	(tag) =	ssettag $0x2  }
0xba: {  	s0 =	rddreg [dreg:$0x0];
	s2 =	stileid.u32  }
0xbb: {  	s1 =	rddreg [dreg:$0x1];
	p0 =	sne.s32 s2, $0x0  }
0xbc: {  	s3 =	rddreg [dreg:$0x2];
	[bflag:$0x3] =	sbarrier.arrive $0xFFFF;
	s2 =	simm.s32 @!p0 $0x1C02  }
0xbd: {  	[timem:s3], [sflag:s2] =	dma.local @!p0 [hbm:s0], s1  }
0xbe: {  	s0 =	simm.s32 @!p0 $0x2  }
0xbf: {  	_ =	swait.ge @!p0 [sflag:s0], s1  }
0xc0: {  	s1 =	ssub.s32 @!p0 $0x0, s1;
	[sflag:s0] =	ssyncset.done @!p0 $0x0  }
0xc1: {  	[sflag:s0] =	ssyncadd.s32 @!p0 s1  }
0xc2: {  	[bflag:$0x3] =	sbarrier.arrive $0xFFFF  }
0xc3: {  	_ =	shalt  }

</sc_bundles>
